<compile_context>
chip_gen: v7x
topology: tpu7x:2x2x1
jax: 0.10.2.dev20260603
libtpu: 0.0.44.dev20260713+nightly
codegen_flags: <defaults>
</compile_context>

<pallas_src>
import functools

import jax
import jax.numpy as jnp
from jax import lax
from jax.experimental import pallas as pl
from jax.experimental.pallas import tpu as pltpu
from jax.experimental.pallas import tpu_sc as plsc

_NC = 2
_NS = 16
_NW = _NC * _NS
_LANES = 16

_CH = 8
_NSLOT = 3


def _sc_body(B, P, D, x, pt, out, xb, pb, sin, sp, sout):
    c = lax.axis_index("c")
    s = lax.axis_index("s")
    w = s * _NC + c
    pos_per_w = P // _NW
    nch = pos_per_w // _CH
    pos0 = w * pos_per_w

    def in_copies(ci, slot):
        r0 = pos0 + ci * _CH
        return [
            pltpu.make_async_copy(x.at[:, pl.ds(r0, _CH), :], xb.at[slot], sin)
        ]

    def pos_copy(ci, ps):
        r0 = pos0 + ci * _CH
        return pltpu.make_async_copy(pt.at[pl.ds(r0, _CH), :], pb.at[ps], sp)

    def out_copies(ci, slot):
        r0 = pos0 + ci * _CH
        return [
            pltpu.make_async_copy(xb.at[slot], out.at[:, pl.ds(r0, _CH), :], sout)
        ]

    for cp in in_copies(0, 0):
        cp.start()
    for cp in in_copies(1, 1):
        cp.start()
    pos_copy(0, 0).start()

    def chunk_body(ci, carry):
        slot = lax.rem(ci, _NSLOT)
        ps = lax.rem(ci, 2)

        @pl.when(ci + 1 < nch)
        def _():
            pos_copy(ci + 1, 1 - ps).start()

        pos_copy(ci, ps).wait()
        for cp in in_copies(ci, slot):
            cp.wait()

        @plsc.parallel_loop(0, D, step=_LANES, unroll=2)
        def _add(col):
            for r in range(_CH):
                pv = pb[ps, r, pl.ds(col, _LANES)]
                for b in range(B):
                    plsc.addupdate(xb.at[slot, b, r, pl.ds(col, _LANES)], pv)

        for cp in out_copies(ci, slot):
            cp.start()

        @pl.when(ci >= 1)
        def _():
            for cp in out_copies(ci - 1, lax.rem(ci - 1, _NSLOT)):
                cp.wait()

        @pl.when(ci + 2 < nch)
        def _():
            for cp in in_copies(ci + 2, lax.rem(ci + 2, _NSLOT)):
                cp.start()

        return carry

    lax.fori_loop(0, nch, chunk_body, 0)

    for cp in out_copies(nch - 1, lax.rem(nch - 1, _NSLOT)):
        cp.wait()


def kernel(x, pos_table):
    B, P, D = x.shape
    mesh = plsc.VectorSubcoreMesh(core_axis_name="c", subcore_axis_name="s")
    k = pl.kernel(
        functools.partial(_sc_body, B, P, D),
        out_type=jax.ShapeDtypeStruct((B, P, D), x.dtype),
        mesh=mesh,
        scratch_types=[
            pltpu.VMEM((_NSLOT, B, _CH, D), jnp.float32),
            pltpu.VMEM((2, _CH, D), jnp.float32),
            pltpu.SemaphoreType.DMA,
            pltpu.SemaphoreType.DMA,
            pltpu.SemaphoreType.DMA,
        ],
        compiler_params=pltpu.CompilerParams(use_tc_tiling_on_sc=True),
    )
    return k(x, pos_table)

# --- scband reference (transcript-rebuilt; emitter-appended) ---
"""Pipeline reference for scband-learned-pos-enc-26980984554079 (READ-ONLY COPY).

The authoritative reference and input builder live on the scoring server;
editing this copy changes nothing except your own understanding.
"""

import jax, jax.numpy as jnp
import numpy as np

NUM_POSITIONS = 8192
D_MODEL = 1024
BATCH = 4

def setup_inputs(seed: int = 0) -> dict:
    key = jax.random.key(seed)
    kx, kw = jax.random.split(key)
    x = jax.random.normal(kx, (BATCH, NUM_POSITIONS, D_MODEL), dtype=jnp.float32)
    pos_table = jax.random.normal(kw, (NUM_POSITIONS, D_MODEL), dtype=jnp.float32) * (D_MODEL ** -0.5)
    return {"x": x, "pos_table": pos_table}

def reference(x, pos_table):
    # positions = arange(num_positions) expanded to (B, P)
    positions = jnp.arange(0, NUM_POSITIONS, dtype=jnp.int32)
    positions = jnp.broadcast_to(positions[None, :], (x.shape[0], NUM_POSITIONS))
    # embedding lookup: table[positions] -> (B, P, D)
    pos_enc = jnp.take(pos_table, positions, axis=0)
    return x + pos_enc

if __name__ == "__main__":
    import jax
    _d = setup_inputs()
    print(jax.jit(kernel)(*tuple(_d.values())))

</pallas_src>

<mosaic_0001>
#map = affine_map<(d0, d1) -> (0, 0, 0)>
#map1 = affine_map<(d0, d1) -> (0, 0)>
module attributes {stable_mosaic.version = 14 : i64} {
  func.func @_sc_body(%arg0: i32, %arg1: i32, %arg2: memref<4x8192x1024xf32, #tpu.memory_space<hbm>>, %arg3: memref<8192x1024xf32, #tpu.memory_space<hbm>>, %arg4: memref<4x8192x1024xf32, #tpu.memory_space<hbm>>, %arg5: memref<3x4x8x1024xf32, #tpu.memory_space<vmem>>, %arg6: memref<2x8x1024xf32, #tpu.memory_space<vmem>>, %arg7: memref<!tpu.dma_semaphore, #tpu.memory_space<semaphore_mem>>, %arg8: memref<!tpu.dma_semaphore, #tpu.memory_space<semaphore_mem>>, %arg9: memref<!tpu.dma_semaphore, #tpu.memory_space<semaphore_mem>>) attributes {dimension_semantics = [#tpu.dimension_semantics<core_parallel>, #tpu.dimension_semantics<subcore_parallel>], iteration_bounds = array<i64: 2, 16>, scalar_prefetch = 0 : i64, scratch_operands = 5 : i64, tpu.core_type = #tpu.core_type<sc_vector_subcore>, window_params = [{transform_indices = #map}, {transform_indices = #map1}, {transform_indices = #map}]} {
    %mul3A = arith.constant 2 : i32
    %mul3A_0 = arith.muli %arg1, %mul3A : i32
    %add3A = arith.addi %mul3A_0, %arg0 : i32
    %mul3A_1 = arith.constant 256 : i32
    %mul3A_2 = arith.muli %add3A, %mul3A_1 : i32
    %add3A_3 = arith.constant 0 : i32
    %add3A_4 = arith.addi %mul3A_2, %add3A_3 : i32
    %dma_start3A = arith.constant 0 : i32
    %dma_start3A_5 = arith.constant 0 : i32
    %dma_start3A_6 = arith.constant 0 : i32
    %dma_start3A_7 = arith.constant 0 : i32
    %dma_start3A_8 = tpu.memref_slice %arg5[%dma_start3A, %dma_start3A_5, %dma_start3A_6, %dma_start3A_7] : memref<3x4x8x1024xf32, #tpu.memory_space<vmem>> -> memref<1x4x8x1024xf32, #tpu.memory_space<vmem>>
    %dma_start3A_9 = tpu.memref_squeeze %dma_start3A_8 : memref<1x4x8x1024xf32, #tpu.memory_space<vmem>> -> memref<4x8x1024xf32, #tpu.memory_space<vmem>>
    %dma_start3A_10 = arith.constant 0 : i32
    %dma_start3A_11 = arith.constant 0 : i32
    %dma_start3A_12 = tpu.memref_slice %arg2[%dma_start3A_10, %add3A_4, %dma_start3A_11] : memref<4x8192x1024xf32, #tpu.memory_space<hbm>> -> memref<4x8x1024xf32, #tpu.memory_space<hbm>>
    %dma_start3A_13 = arith.constant 0 : i32
    %dma_start3A_14 = arith.constant 0 : i32
    %dma_start3A_15 = arith.constant 0 : i32
    %dma_start3A_16 = tpu.memref_slice %arg5[%dma_start3A, %dma_start3A_13, %dma_start3A_14, %dma_start3A_15] : memref<3x4x8x1024xf32, #tpu.memory_space<vmem>> -> memref<1x4x8x1024xf32, #tpu.memory_space<vmem>>
    %dma_start3A_17 = tpu.memref_squeeze %dma_start3A_16 : memref<1x4x8x1024xf32, #tpu.memory_space<vmem>> -> memref<4x8x1024xf32, #tpu.memory_space<vmem>>
    %dma_start3A_18 = arith.constant 0 : i32
    %dma_start3A_19 = arith.constant 0 : i32
    %dma_start3A_20 = tpu.memref_slice %arg2[%dma_start3A_18, %add3A_4, %dma_start3A_19] : memref<4x8192x1024xf32, #tpu.memory_space<hbm>> -> memref<4x8x1024xf32, #tpu.memory_space<hbm>>
    tpu.enqueue_dma source(%dma_start3A_20 : memref<4x8x1024xf32, #tpu.memory_space<hbm>>) target(%dma_start3A_17 : memref<4x8x1024xf32, #tpu.memory_space<vmem>>) target_semaphore(%arg7 : memref<!tpu.dma_semaphore, #tpu.memory_space<semaphore_mem>>)
    %add3A_21 = arith.constant 8 : i32
    %add3A_22 = arith.addi %mul3A_2, %add3A_21 : i32
    %dma_start3A_23 = arith.constant 1 : i32
    %dma_start3A_24 = arith.constant 0 : i32
    %dma_start3A_25 = arith.constant 0 : i32
    %dma_start3A_26 = arith.constant 0 : i32
    %dma_start3A_27 = tpu.memref_slice %arg5[%dma_start3A_23, %dma_start3A_24, %dma_start3A_25, %dma_start3A_26] : memref<3x4x8x1024xf32, #tpu.memory_space<vmem>> -> memref<1x4x8x1024xf32, #tpu.memory_space<vmem>>
    %dma_start3A_28 = tpu.memref_squeeze %dma_start3A_27 : memref<1x4x8x1024xf32, #tpu.memory_space<vmem>> -> memref<4x8x1024xf32, #tpu.memory_space<vmem>>
    %dma_start3A_29 = arith.constant 0 : i32
    %dma_start3A_30 = arith.constant 0 : i32
    %dma_start3A_31 = tpu.memref_slice %arg2[%dma_start3A_29, %add3A_22, %dma_start3A_30] : memref<4x8192x1024xf32, #tpu.memory_space<hbm>> -> memref<4x8x1024xf32, #tpu.memory_space<hbm>>
    %dma_start3A_32 = arith.constant 0 : i32
    %dma_start3A_33 = arith.constant 0 : i32
    %dma_start3A_34 = arith.constant 0 : i32
    %dma_start3A_35 = tpu.memref_slice %arg5[%dma_start3A_23, %dma_start3A_32, %dma_start3A_33, %dma_start3A_34] : memref<3x4x8x1024xf32, #tpu.memory_space<vmem>> -> memref<1x4x8x1024xf32, #tpu.memory_space<vmem>>
    %dma_start3A_36 = tpu.memref_squeeze %dma_start3A_35 : memref<1x4x8x1024xf32, #tpu.memory_space<vmem>> -> memref<4x8x1024xf32, #tpu.memory_space<vmem>>
    %dma_start3A_37 = arith.constant 0 : i32
    %dma_start3A_38 = arith.constant 0 : i32
    %dma_start3A_39 = tpu.memref_slice %arg2[%dma_start3A_37, %add3A_22, %dma_start3A_38] : memref<4x8192x1024xf32, #tpu.memory_space<hbm>> -> memref<4x8x1024xf32, #tpu.memory_space<hbm>>
    tpu.enqueue_dma source(%dma_start3A_39 : memref<4x8x1024xf32, #tpu.memory_space<hbm>>) target(%dma_start3A_36 : memref<4x8x1024xf32, #tpu.memory_space<vmem>>) target_semaphore(%arg7 : memref<!tpu.dma_semaphore, #tpu.memory_space<semaphore_mem>>)
    %add3A_40 = arith.constant 0 : i32
    %add3A_41 = arith.addi %mul3A_2, %add3A_40 : i32
    %dma_start3A_42 = arith.constant 0 : i32
    %dma_start3A_43 = arith.constant 0 : i32
    %dma_start3A_44 = arith.constant 0 : i32
    %dma_start3A_45 = tpu.memref_slice %arg6[%dma_start3A_42, %dma_start3A_43, %dma_start3A_44] : memref<2x8x1024xf32, #tpu.memory_space<vmem>> -> memref<1x8x1024xf32, #tpu.memory_space<vmem>>
    %dma_start3A_46 = tpu.memref_squeeze %dma_start3A_45 : memref<1x8x1024xf32, #tpu.memory_space<vmem>> -> memref<8x1024xf32, #tpu.memory_space<vmem>>
    %dma_start3A_47 = arith.constant 0 : i32
    %dma_start3A_48 = tpu.memref_slice %arg3[%add3A_41, %dma_start3A_47] : memref<8192x1024xf32, #tpu.memory_space<hbm>> -> memref<8x1024xf32, #tpu.memory_space<hbm>>
    %dma_start3A_49 = arith.constant 0 : i32
    %dma_start3A_50 = arith.constant 0 : i32
    %dma_start3A_51 = tpu.memref_slice %arg6[%dma_start3A_42, %dma_start3A_49, %dma_start3A_50] : memref<2x8x1024xf32, #tpu.memory_space<vmem>> -> memref<1x8x1024xf32, #tpu.memory_space<vmem>>
    %dma_start3A_52 = tpu.memref_squeeze %dma_start3A_51 : memref<1x8x1024xf32, #tpu.memory_space<vmem>> -> memref<8x1024xf32, #tpu.memory_space<vmem>>
    %dma_start3A_53 = arith.constant 0 : i32
    %dma_start3A_54 = tpu.memref_slice %arg3[%add3A_41, %dma_start3A_53] : memref<8192x1024xf32, #tpu.memory_space<hbm>> -> memref<8x1024xf32, #tpu.memory_space<hbm>>
    tpu.enqueue_dma source(%dma_start3A_54 : memref<8x1024xf32, #tpu.memory_space<hbm>>) target(%dma_start3A_52 : memref<8x1024xf32, #tpu.memory_space<vmem>>) target_semaphore(%arg8 : memref<!tpu.dma_semaphore, #tpu.memory_space<semaphore_mem>>)
    %scan3A = arith.constant 0 : i32
    %scan3A_55 = arith.constant 0 : i32
    %scan3A_56 = arith.constant 32 : i32
    %scan3A_57 = arith.addi %scan3A_55, %scan3A_56 : i32
    %scan3A_58 = arith.constant 1 : i32
    scf.for %scan3A_79 = %scan3A_55 to %scan3A_57 step %scan3A_58  : i32 {
      %rem3A_80 = arith.constant 3 : i32
      %rem3A_81 = arith.remsi %scan3A_79, %rem3A_80 : i32
      %rem3A_82 = arith.constant 2 : i32
      %rem3A_83 = arith.remsi %scan3A_79, %rem3A_82 : i32
      %add3A_84 = arith.constant 1 : i32
      %add3A_85 = arith.addi %scan3A_79, %add3A_84 : i32
      %lt3A = arith.constant 32 : i32
      %lt3A_86 = arith.cmpi slt, %add3A_85, %lt3A : i32
      %convert_element_type3A = arith.extui %lt3A_86 : i1 to i32
      %cond3A = arith.constant 0 : i32
      %cond3A_87 = arith.cmpi ne, %convert_element_type3A, %cond3A : i32
      scf.if %cond3A_87 {
        %add3A_154 = arith.constant 1 : i32
        %add3A_155 = arith.addi %scan3A_79, %add3A_154 : i32
        %sub3A = arith.constant 1 : i32
        %sub3A_156 = arith.subi %sub3A, %rem3A_83 : i32
        %mul3A_157 = arith.constant 8 : i32
        %mul3A_158 = arith.muli %add3A_155, %mul3A_157 : i32
        %add3A_159 = arith.addi %mul3A_2, %mul3A_158 : i32
        %dma_start3A_160 = arith.constant 0 : i32
        %dma_start3A_161 = arith.constant 0 : i32
        %dma_start3A_162 = tpu.memref_slice %arg6[%sub3A_156, %dma_start3A_160, %dma_start3A_161] : memref<2x8x1024xf32, #tpu.memory_space<vmem>> -> memref<1x8x1024xf32, #tpu.memory_space<vmem>>
        %dma_start3A_163 = tpu.memref_squeeze %dma_start3A_162 : memref<1x8x1024xf32, #tpu.memory_space<vmem>> -> memref<8x1024xf32, #tpu.memory_space<vmem>>
        %dma_start3A_164 = arith.constant 0 : i32
        %dma_start3A_165 = tpu.memref_slice %arg3[%add3A_159, %dma_start3A_164] : memref<8192x1024xf32, #tpu.memory_space<hbm>> -> memref<8x1024xf32, #tpu.memory_space<hbm>>
        %dma_start3A_166 = arith.constant 0 : i32
        %dma_start3A_167 = arith.constant 0 : i32
        %dma_start3A_168 = tpu.memref_slice %arg6[%sub3A_156, %dma_start3A_166, %dma_start3A_167] : memref<2x8x1024xf32, #tpu.memory_space<vmem>> -> memref<1x8x1024xf32, #tpu.memory_space<vmem>>
        %dma_start3A_169 = tpu.memref_squeeze %dma_start3A_168 : memref<1x8x1024xf32, #tpu.memory_space<vmem>> -> memref<8x1024xf32, #tpu.memory_space<vmem>>
        %dma_start3A_170 = arith.constant 0 : i32
        %dma_start3A_171 = tpu.memref_slice %arg3[%add3A_159, %dma_start3A_170] : memref<8192x1024xf32, #tpu.memory_space<hbm>> -> memref<8x1024xf32, #tpu.memory_space<hbm>>
        tpu.enqueue_dma source(%dma_start3A_171 : memref<8x1024xf32, #tpu.memory_space<hbm>>) target(%dma_start3A_169 : memref<8x1024xf32, #tpu.memory_space<vmem>>) target_semaphore(%arg8 : memref<!tpu.dma_semaphore, #tpu.memory_space<semaphore_mem>>)
      } else {
      }
      %mul3A_88 = arith.constant 8 : i32
      %mul3A_89 = arith.muli %scan3A_79, %mul3A_88 : i32
      %add3A_90 = arith.addi %mul3A_2, %mul3A_89 : i32
      %dma_wait3A_91 = arith.constant 0 : i32
      %dma_wait3A_92 = arith.constant 0 : i32
      %dma_wait3A_93 = tpu.memref_slice %arg6[%rem3A_83, %dma_wait3A_91, %dma_wait3A_92] : memref<2x8x1024xf32, #tpu.memory_space<vmem>> -> memref<1x8x1024xf32, #tpu.memory_space<vmem>>
      %dma_wait3A_94 = tpu.memref_squeeze %dma_wait3A_93 : memref<1x8x1024xf32, #tpu.memory_space<vmem>> -> memref<8x1024xf32, #tpu.memory_space<vmem>>
      %dma_wait3A_95 = arith.constant 0 : i32
      %dma_wait3A_96 = tpu.memref_slice %arg3[%add3A_90, %dma_wait3A_95] : memref<8192x1024xf32, #tpu.memory_space<hbm>> -> memref<8x1024xf32, #tpu.memory_space<hbm>>
      %dma_wait3A_97 = arith.constant 0 : i32
      %dma_wait3A_98 = arith.constant 0 : i32
      %dma_wait3A_99 = tpu.memref_slice %arg6[%rem3A_83, %dma_wait3A_97, %dma_wait3A_98] : memref<2x8x1024xf32, #tpu.memory_space<vmem>> -> memref<1x8x1024xf32, #tpu.memory_space<vmem>>
      %dma_wait3A_100 = tpu.memref_squeeze %dma_wait3A_99 : memref<1x8x1024xf32, #tpu.memory_space<vmem>> -> memref<8x1024xf32, #tpu.memory_space<vmem>>
      %dma_wait3A_101 = arith.constant 0 : i32
      %dma_wait3A_102 = tpu.memref_slice %arg3[%add3A_90, %dma_wait3A_101] : memref<8192x1024xf32, #tpu.memory_space<hbm>> -> memref<8x1024xf32, #tpu.memory_space<hbm>>
      tpu.wait_dma2 semaphore(%arg8 : memref<!tpu.dma_semaphore, #tpu.memory_space<semaphore_mem>>) src(%dma_wait3A_102 : memref<8x1024xf32, #tpu.memory_space<hbm>>) dst(%dma_wait3A_100 : memref<8x1024xf32, #tpu.memory_space<vmem>>)
      %mul3A_103 = arith.constant 8 : i32
      %mul3A_104 = arith.muli %scan3A_79, %mul3A_103 : i32
      %add3A_105 = arith.addi %mul3A_2, %mul3A_104 : i32
      %dma_wait3A_106 = arith.constant 0 : i32
      %dma_wait3A_107 = arith.constant 0 : i32
      %dma_wait3A_108 = arith.constant 0 : i32
      %dma_wait3A_109 = tpu.memref_slice %arg5[%rem3A_81, %dma_wait3A_106, %dma_wait3A_107, %dma_wait3A_108] : memref<3x4x8x1024xf32, #tpu.memory_space<vmem>> -> memref<1x4x8x1024xf32, #tpu.memory_space<vmem>>
      %dma_wait3A_110 = tpu.memref_squeeze %dma_wait3A_109 : memref<1x4x8x1024xf32, #tpu.memory_space<vmem>> -> memref<4x8x1024xf32, #tpu.memory_space<vmem>>
      %dma_wait3A_111 = arith.constant 0 : i32
      %dma_wait3A_112 = arith.constant 0 : i32
      %dma_wait3A_113 = tpu.memref_slice %arg2[%dma_wait3A_111, %add3A_105, %dma_wait3A_112] : memref<4x8192x1024xf32, #tpu.memory_space<hbm>> -> memref<4x8x1024xf32, #tpu.memory_space<hbm>>
      %dma_wait3A_114 = arith.constant 0 : i32
      %dma_wait3A_115 = arith.constant 0 : i32
      %dma_wait3A_116 = arith.constant 0 : i32
      %dma_wait3A_117 = tpu.memref_slice %arg5[%rem3A_81, %dma_wait3A_114, %dma_wait3A_115, %dma_wait3A_116] : memref<3x4x8x1024xf32, #tpu.memory_space<vmem>> -> memref<1x4x8x1024xf32, #tpu.memory_space<vmem>>
      %dma_wait3A_118 = tpu.memref_squeeze %dma_wait3A_117 : memref<1x4x8x1024xf32, #tpu.memory_space<vmem>> -> memref<4x8x1024xf32, #tpu.memory_space<vmem>>
      %dma_wait3A_119 = arith.constant 0 : i32
      %dma_wait3A_120 = arith.constant 0 : i32
      %dma_wait3A_121 = tpu.memref_slice %arg2[%dma_wait3A_119, %add3A_105, %dma_wait3A_120] : memref<4x8192x1024xf32, #tpu.memory_space<hbm>> -> memref<4x8x1024xf32, #tpu.memory_space<hbm>>
      tpu.wait_dma2 semaphore(%arg7 : memref<!tpu.dma_semaphore, #tpu.memory_space<semaphore_mem>>) src(%dma_wait3A_121 : memref<4x8x1024xf32, #tpu.memory_space<hbm>>) dst(%dma_wait3A_118 : memref<4x8x1024xf32, #tpu.memory_space<vmem>>)
      %parallel_loop3A = arith.constant 0 : i32
      %parallel_loop3A_122 = arith.constant 1024 : i32
      %parallel_loop3A_123 = arith.constant 16 : i32
      scf.for %parallel_loop3A_154 = %parallel_loop3A to %parallel_loop3A_122 step %parallel_loop3A_123  : i32 {
        %parallel_loop3A_155 = arith.constant 0 : i32
        %parallel_loop3A_156 = arith.index_cast %rem3A_83 : i32 to index
        %parallel_loop3A_157 = arith.index_cast %parallel_loop3A_155 : i32 to index
        %parallel_loop3A_158 = arith.index_cast %parallel_loop3A_154 : i32 to index
        %parallel_loop3A_159 = tpu.vector_load %arg6[%parallel_loop3A_156, %parallel_loop3A_157, %parallel_loop3A_158] {strides = array<i32>} : memref<2x8x1024xf32, #tpu.memory_space<vmem>>, vector<1x1x16xf32>,
        %parallel_loop3A_160 = vector.shape_cast %parallel_loop3A_159 : vector<1x1x16xf32> to vector<16xf32>
        %parallel_loop3A_161 = arith.constant 0 : i32
        %parallel_loop3A_162 = arith.constant 0 : i32
        %parallel_loop3A_163 = arith.index_cast %rem3A_81 : i32 to index
        %parallel_loop3A_164 = arith.index_cast %parallel_loop3A_161 : i32 to index
        %parallel_loop3A_165 = arith.index_cast %parallel_loop3A_162 : i32 to index
        %parallel_loop3A_166 = arith.index_cast %parallel_loop3A_154 : i32 to index
        %parallel_loop3A_167 = tpu.vector_load %arg5[%parallel_loop3A_163, %parallel_loop3A_164, %parallel_loop3A_165, %parallel_loop3A_166] {strides = array<i32>} : memref<3x4x8x1024xf32, #tpu.memory_space<vmem>>, vector<1x1x1x16xf32>,
        %parallel_loop3A_168 = vector.shape_cast %parallel_loop3A_167 : vector<1x1x1x16xf32> to vector<16xf32>
        %parallel_loop3A_169 = vector.shape_cast %parallel_loop3A_160 : vector<16xf32> to vector<1x1x1x16xf32>
        tpu.vector_store %arg5[%parallel_loop3A_163, %parallel_loop3A_164, %parallel_loop3A_165, %parallel_loop3A_166], %parallel_loop3A_169 {add = true, strides = array<i32>} : memref<3x4x8x1024xf32, #tpu.memory_space<vmem>>, vector<1x1x1x16xf32>,
        %parallel_loop3A_170 = arith.constant 1 : i32
        %parallel_loop3A_171 = arith.constant 0 : i32
        %parallel_loop3A_172 = arith.index_cast %rem3A_81 : i32 to index
        %parallel_loop3A_173 = arith.index_cast %parallel_loop3A_170 : i32 to index
        %parallel_loop3A_174 = arith.index_cast %parallel_loop3A_171 : i32 to index
        %parallel_loop3A_175 = arith.index_cast %parallel_loop3A_154 : i32 to index
        %parallel_loop3A_176 = tpu.vector_load %arg5[%parallel_loop3A_172, %parallel_loop3A_173, %parallel_loop3A_174, %parallel_loop3A_175] {strides = array<i32>} : memref<3x4x8x1024xf32, #tpu.memory_space<vmem>>, vector<1x1x1x16xf32>,
        %parallel_loop3A_177 = vector.shape_cast %parallel_loop3A_176 : vector<1x1x1x16xf32> to vector<16xf32>
        %parallel_loop3A_178 = vector.shape_cast %parallel_loop3A_160 : vector<16xf32> to vector<1x1x1x16xf32>
        tpu.vector_store %arg5[%parallel_loop3A_172, %parallel_loop3A_173, %parallel_loop3A_174, %parallel_loop3A_175], %parallel_loop3A_178 {add = true, strides = array<i32>} : memref<3x4x8x1024xf32, #tpu.memory_space<vmem>>, vector<1x1x1x16xf32>,
        %parallel_loop3A_179 = arith.constant 2 : i32
        %parallel_loop3A_180 = arith.constant 0 : i32
        %parallel_loop3A_181 = arith.index_cast %rem3A_81 : i32 to index
        %parallel_loop3A_182 = arith.index_cast %parallel_loop3A_179 : i32 to index
        %parallel_loop3A_183 = arith.index_cast %parallel_loop3A_180 : i32 to index
        %parallel_loop3A_184 = arith.index_cast %parallel_loop3A_154 : i32 to index
        %parallel_loop3A_185 = tpu.vector_load %arg5[%parallel_loop3A_181, %parallel_loop3A_182, %parallel_loop3A_183, %parallel_loop3A_184] {strides = array<i32>} : memref<3x4x8x1024xf32, #tpu.memory_space<vmem>>, vector<1x1x1x16xf32>,
        %parallel_loop3A_186 = vector.shape_cast %parallel_loop3A_185 : vector<1x1x1x16xf32> to vector<16xf32>
        %parallel_loop3A_187 = vector.shape_cast %parallel_loop3A_160 : vector<16xf32> to vector<1x1x1x16xf32>
        tpu.vector_store %arg5[%parallel_loop3A_181, %parallel_loop3A_182, %parallel_loop3A_183, %parallel_loop3A_184], %parallel_loop3A_187 {add = true, strides = array<i32>} : memref<3x4x8x1024xf32, #tpu.memory_space<vmem>>, vector<1x1x1x16xf32>,
        %parallel_loop3A_188 = arith.constant 3 : i32
        %parallel_loop3A_189 = arith.constant 0 : i32
        %parallel_loop3A_190 = arith.index_cast %rem3A_81 : i32 to index
        %parallel_loop3A_191 = arith.index_cast %parallel_loop3A_188 : i32 to index
        %parallel_loop3A_192 = arith.index_cast %parallel_loop3A_189 : i32 to index
        %parallel_loop3A_193 = arith.index_cast %parallel_loop3A_154 : i32 to index
        %parallel_loop3A_194 = tpu.vector_load %arg5[%parallel_loop3A_190, %parallel_loop3A_191, %parallel_loop3A_192, %parallel_loop3A_193] {strides = array<i32>} : memref<3x4x8x1024xf32, #tpu.memory_space<vmem>>, vector<1x1x1x16xf32>,
        %parallel_loop3A_195 = vector.shape_cast %parallel_loop3A_194 : vector<1x1x1x16xf32> to vector<16xf32>
        %parallel_loop3A_196 = vector.shape_cast %parallel_loop3A_160 : vector<16xf32> to vector<1x1x1x16xf32>
        tpu.vector_store %arg5[%parallel_loop3A_190, %parallel_loop3A_191, %parallel_loop3A_192, %parallel_loop3A_193], %parallel_loop3A_196 {add = true, strides = array<i32>} : memref<3x4x8x1024xf32, #tpu.memory_space<vmem>>, vector<1x1x1x16xf32>,
        %parallel_loop3A_197 = arith.constant 1 : i32
        %parallel_loop3A_198 = arith.index_cast %rem3A_83 : i32 to index
        %parallel_loop3A_199 = arith.index_cast %parallel_loop3A_197 : i32 to index
        %parallel_loop3A_200 = arith.index_cast %parallel_loop3A_154 : i32 to index
        %parallel_loop3A_201 = tpu.vector_load %arg6[%parallel_loop3A_198, %parallel_loop3A_199, %parallel_loop3A_200] {strides = array<i32>} : memref<2x8x1024xf32, #tpu.memory_space<vmem>>, vector<1x1x16xf32>,
        %parallel_loop3A_202 = vector.shape_cast %parallel_loop3A_201 : vector<1x1x16xf32> to vector<16xf32>
        %parallel_loop3A_203 = arith.constant 0 : i32
        %parallel_loop3A_204 = arith.constant 1 : i32
        %parallel_loop3A_205 = arith.index_cast %rem3A_81 : i32 to index
        %parallel_loop3A_206 = arith.index_cast %parallel_loop3A_203 : i32 to index
        %parallel_loop3A_207 = arith.index_cast %parallel_loop3A_204 : i32 to index
        %parallel_loop3A_208 = arith.index_cast %parallel_loop3A_154 : i32 to index
        %parallel_loop3A_209 = tpu.vector_load %arg5[%parallel_loop3A_205, %parallel_loop3A_206, %parallel_loop3A_207, %parallel_loop3A_208] {strides = array<i32>} : memref<3x4x8x1024xf32, #tpu.memory_space<vmem>>, vector<1x1x1x16xf32>,
        %parallel_loop3A_210 = vector.shape_cast %parallel_loop3A_209 : vector<1x1x1x16xf32> to vector<16xf32>
        %parallel_loop3A_211 = vector.shape_cast %parallel_loop3A_202 : vector<16xf32> to vector<1x1x1x16xf32>
        tpu.vector_store %arg5[%parallel_loop3A_205, %parallel_loop3A_206, %parallel_loop3A_207, %parallel_loop3A_208], %parallel_loop3A_211 {add = true, strides = array<i32>} : memref<3x4x8x1024xf32, #tpu.memory_space<vmem>>, vector<1x1x1x16xf32>,
        %parallel_loop3A_212 = arith.constant 1 : i32
        %parallel_loop3A_213 = arith.constant 1 : i32
        %parallel_loop3A_214 = arith.index_cast %rem3A_81 : i32 to index
        %parallel_loop3A_215 = arith.index_cast %parallel_loop3A_212 : i32 to index
        %parallel_loop3A_216 = arith.index_cast %parallel_loop3A_213 : i32 to index
        %parallel_loop3A_217 = arith.index_cast %parallel_loop3A_154 : i32 to index
        %parallel_loop3A_218 = tpu.vector_load %arg5[%parallel_loop3A_214, %parallel_loop3A_215, %parallel_loop3A_216, %parallel_loop3A_217] {strides = array<i32>} : memref<3x4x8x1024xf32, #tpu.memory_space<vmem>>, vector<1x1x1x16xf32>,
        %parallel_loop3A_219 = vector.shape_cast %parallel_loop3A_218 : vector<1x1x1x16xf32> to vector<16xf32>
        %parallel_loop3A_220 = vector.shape_cast %parallel_loop3A_202 : vector<16xf32> to vector<1x1x1x16xf32>
        tpu.vector_store %arg5[%parallel_loop3A_214, %parallel_loop3A_215, %parallel_loop3A_216, %parallel_loop3A_217], %parallel_loop3A_220 {add = true, strides = array<i32>} : memref<3x4x8x1024xf32, #tpu.memory_space<vmem>>, vector<1x1x1x16xf32>,
        %parallel_loop3A_221 = arith.constant 2 : i32
        %parallel_loop3A_222 = arith.constant 1 : i32
        %parallel_loop3A_223 = arith.index_cast %rem3A_81 : i32 to index
        %parallel_loop3A_224 = arith.index_cast %parallel_loop3A_221 : i32 to index
        %parallel_loop3A_225 = arith.index_cast %parallel_loop3A_222 : i32 to index
        %parallel_loop3A_226 = arith.index_cast %parallel_loop3A_154 : i32 to index
        %parallel_loop3A_227 = tpu.vector_load %arg5[%parallel_loop3A_223, %parallel_loop3A_224, %parallel_loop3A_225, %parallel_loop3A_226] {strides = array<i32>} : memref<3x4x8x1024xf32, #tpu.memory_space<vmem>>, vector<1x1x1x16xf32>,
        %parallel_loop3A_228 = vector.shape_cast %parallel_loop3A_227 : vector<1x1x1x16xf32> to vector<16xf32>
        %parallel_loop3A_229 = vector.shape_cast %parallel_loop3A_202 : vector<16xf32> to vector<1x1x1x16xf32>
        tpu.vector_store %arg5[%parallel_loop3A_223, %parallel_loop3A_224, %parallel_loop3A_225, %parallel_loop3A_226], %parallel_loop3A_229 {add = true, strides = array<i32>} : memref<3x4x8x1024xf32, #tpu.memory_space<vmem>>, vector<1x1x1x16xf32>,
        %parallel_loop3A_230 = arith.constant 3 : i32
        %parallel_loop3A_231 = arith.constant 1 : i32
        %parallel_loop3A_232 = arith.index_cast %rem3A_81 : i32 to index
        %parallel_loop3A_233 = arith.index_cast %parallel_loop3A_230 : i32 to index
        %parallel_loop3A_234 = arith.index_cast %parallel_loop3A_231 : i32 to index
        %parallel_loop3A_235 = arith.index_cast %parallel_loop3A_154 : i32 to index
        %parallel_loop3A_236 = tpu.vector_load %arg5[%parallel_loop3A_232, %parallel_loop3A_233, %parallel_loop3A_234, %parallel_loop3A_235] {strides = array<i32>} : memref<3x4x8x1024xf32, #tpu.memory_space<vmem>>, vector<1x1x1x16xf32>,
        %parallel_loop3A_237 = vector.shape_cast %parallel_loop3A_236 : vector<1x1x1x16xf32> to vector<16xf32>
        %parallel_loop3A_238 = vector.shape_cast %parallel_loop3A_202 : vector<16xf32> to vector<1x1x1x16xf32>
        tpu.vector_store %arg5[%parallel_loop3A_232, %parallel_loop3A_233, %parallel_loop3A_234, %parallel_loop3A_235], %parallel_loop3A_238 {add = true, strides = array<i32>} : memref<3x4x8x1024xf32, #tpu.memory_space<vmem>>, vector<1x1x1x16xf32>,
        %parallel_loop3A_239 = arith.constant 2 : i32
        %parallel_loop3A_240 = arith.index_cast %rem3A_83 : i32 to index
        %parallel_loop3A_241 = arith.index_cast %parallel_loop3A_239 : i32 to index
        %parallel_loop3A_242 = arith.index_cast %parallel_loop3A_154 : i32 to index
        %parallel_loop3A_243 = tpu.vector_load %arg6[%parallel_loop3A_240, %parallel_loop3A_241, %parallel_loop3A_242] {strides = array<i32>} : memref<2x8x1024xf32, #tpu.memory_space<vmem>>, vector<1x1x16xf32>,
        %parallel_loop3A_244 = vector.shape_cast %parallel_loop3A_243 : vector<1x1x16xf32> to vector<16xf32>
        %parallel_loop3A_245 = arith.constant 0 : i32
        %parallel_loop3A_246 = arith.constant 2 : i32
        %parallel_loop3A_247 = arith.index_cast %rem3A_81 : i32 to index
        %parallel_loop3A_248 = arith.index_cast %parallel_loop3A_245 : i32 to index
        %parallel_loop3A_249 = arith.index_cast %parallel_loop3A_246 : i32 to index
        %parallel_loop3A_250 = arith.index_cast %parallel_loop3A_154 : i32 to index
        %parallel_loop3A_251 = tpu.vector_load %arg5[%parallel_loop3A_247, %parallel_loop3A_248, %parallel_loop3A_249, %parallel_loop3A_250] {strides = array<i32>} : memref<3x4x8x1024xf32, #tpu.memory_space<vmem>>, vector<1x1x1x16xf32>,
        %parallel_loop3A_252 = vector.shape_cast %parallel_loop3A_251 : vector<1x1x1x16xf32> to vector<16xf32>
        %parallel_loop3A_253 = vector.shape_cast %parallel_loop3A_244 : vector<16xf32> to vector<1x1x1x16xf32>
        tpu.vector_store %arg5[%parallel_loop3A_247, %parallel_loop3A_248, %parallel_loop3A_249, %parallel_loop3A_250], %parallel_loop3A_253 {add = true, strides = array<i32>} : memref<3x4x8x1024xf32, #tpu.memory_space<vmem>>, vector<1x1x1x16xf32>,
        %parallel_loop3A_254 = arith.constant 1 : i32
        %parallel_loop3A_255 = arith.constant 2 : i32
        %parallel_loop3A_256 = arith.index_cast %rem3A_81 : i32 to index
        %parallel_loop3A_257 = arith.index_cast %parallel_loop3A_254 : i32 to index
        %parallel_loop3A_258 = arith.index_cast %parallel_loop3A_255 : i32 to index
        %parallel_loop3A_259 = arith.index_cast %parallel_loop3A_154 : i32 to index
        %parallel_loop3A_260 = tpu.vector_load %arg5[%parallel_loop3A_256, %parallel_loop3A_257, %parallel_loop3A_258, %parallel_loop3A_259] {strides = array<i32>} : memref<3x4x8x1024xf32, #tpu.memory_space<vmem>>, vector<1x1x1x16xf32>,
        %parallel_loop3A_261 = vector.shape_cast %parallel_loop3A_260 : vector<1x1x1x16xf32> to vector<16xf32>
        %parallel_loop3A_262 = vector.shape_cast %parallel_loop3A_244 : vector<16xf32> to vector<1x1x1x16xf32>
        tpu.vector_store %arg5[%parallel_loop3A_256, %parallel_loop3A_257, %parallel_loop3A_258, %parallel_loop3A_259], %parallel_loop3A_262 {add = true, strides = array<i32>} : memref<3x4x8x1024xf32, #tpu.memory_space<vmem>>, vector<1x1x1x16xf32>,
        %parallel_loop3A_263 = arith.constant 2 : i32
        %parallel_loop3A_264 = arith.constant 2 : i32
        %parallel_loop3A_265 = arith.index_cast %rem3A_81 : i32 to index
        %parallel_loop3A_266 = arith.index_cast %parallel_loop3A_263 : i32 to index
        %parallel_loop3A_267 = arith.index_cast %parallel_loop3A_264 : i32 to index
        %parallel_loop3A_268 = arith.index_cast %parallel_loop3A_154 : i32 to index
        %parallel_loop3A_269 = tpu.vector_load %arg5[%parallel_loop3A_265, %parallel_loop3A_266, %parallel_loop3A_267, %parallel_loop3A_268] {strides = array<i32>} : memref<3x4x8x1024xf32, #tpu.memory_space<vmem>>, vector<1x1x1x16xf32>,
        %parallel_loop3A_270 = vector.shape_cast %parallel_loop3A_269 : vector<1x1x1x16xf32> to vector<16xf32>
        %parallel_loop3A_271 = vector.shape_cast %parallel_loop3A_244 : vector<16xf32> to vector<1x1x1x16xf32>
        tpu.vector_store %arg5[%parallel_loop3A_265, %parallel_loop3A_266, %parallel_loop3A_267, %parallel_loop3A_268], %parallel_loop3A_271 {add = true, strides = array<i32>} : memref<3x4x8x1024xf32, #tpu.memory_space<vmem>>, vector<1x1x1x16xf32>,
        %parallel_loop3A_272 = arith.constant 3 : i32
        %parallel_loop3A_273 = arith.constant 2 : i32
        %parallel_loop3A_274 = arith.index_cast %rem3A_81 : i32 to index
        %parallel_loop3A_275 = arith.index_cast %parallel_loop3A_272 : i32 to index
        %parallel_loop3A_276 = arith.index_cast %parallel_loop3A_273 : i32 to index
        %parallel_loop3A_277 = arith.index_cast %parallel_loop3A_154 : i32 to index
        %parallel_loop3A_278 = tpu.vector_load %arg5[%parallel_loop3A_274, %parallel_loop3A_275, %parallel_loop3A_276, %parallel_loop3A_277] {strides = array<i32>} : memref<3x4x8x1024xf32, #tpu.memory_space<vmem>>, vector<1x1x1x16xf32>,
        %parallel_loop3A_279 = vector.shape_cast %parallel_loop3A_278 : vector<1x1x1x16xf32> to vector<16xf32>
        %parallel_loop3A_280 = vector.shape_cast %parallel_loop3A_244 : vector<16xf32> to vector<1x1x1x16xf32>
        tpu.vector_store %arg5[%parallel_loop3A_274, %parallel_loop3A_275, %parallel_loop3A_276, %parallel_loop3A_277], %parallel_loop3A_280 {add = true, strides = array<i32>} : memref<3x4x8x1024xf32, #tpu.memory_space<vmem>>, vector<1x1x1x16xf32>,
        %parallel_loop3A_281 = arith.constant 3 : i32
        %parallel_loop3A_282 = arith.index_cast %rem3A_83 : i32 to index
        %parallel_loop3A_283 = arith.index_cast %parallel_loop3A_281 : i32 to index
        %parallel_loop3A_284 = arith.index_cast %parallel_loop3A_154 : i32 to index
        %parallel_loop3A_285 = tpu.vector_load %arg6[%parallel_loop3A_282, %parallel_loop3A_283, %parallel_loop3A_284] {strides = array<i32>} : memref<2x8x1024xf32, #tpu.memory_space<vmem>>, vector<1x1x16xf32>,
        %parallel_loop3A_286 = vector.shape_cast %parallel_loop3A_285 : vector<1x1x16xf32> to vector<16xf32>
        %parallel_loop3A_287 = arith.constant 0 : i32
        %parallel_loop3A_288 = arith.constant 3 : i32
        %parallel_loop3A_289 = arith.index_cast %rem3A_81 : i32 to index
        %parallel_loop3A_290 = arith.index_cast %parallel_loop3A_287 : i32 to index
        %parallel_loop3A_291 = arith.index_cast %parallel_loop3A_288 : i32 to index
        %parallel_loop3A_292 = arith.index_cast %parallel_loop3A_154 : i32 to index
        %parallel_loop3A_293 = tpu.vector_load %arg5[%parallel_loop3A_289, %parallel_loop3A_290, %parallel_loop3A_291, %parallel_loop3A_292] {strides = array<i32>} : memref<3x4x8x1024xf32, #tpu.memory_space<vmem>>, vector<1x1x1x16xf32>,
        %parallel_loop3A_294 = vector.shape_cast %parallel_loop3A_293 : vector<1x1x1x16xf32> to vector<16xf32>
        %parallel_loop3A_295 = vector.shape_cast %parallel_loop3A_286 : vector<16xf32> to vector<1x1x1x16xf32>
        tpu.vector_store %arg5[%parallel_loop3A_289, %parallel_loop3A_290, %parallel_loop3A_291, %parallel_loop3A_292], %parallel_loop3A_295 {add = true, strides = array<i32>} : memref<3x4x8x1024xf32, #tpu.memory_space<vmem>>, vector<1x1x1x16xf32>,
        %parallel_loop3A_296 = arith.constant 1 : i32
        %parallel_loop3A_297 = arith.constant 3 : i32
        %parallel_loop3A_298 = arith.index_cast %rem3A_81 : i32 to index
        %parallel_loop3A_299 = arith.index_cast %parallel_loop3A_296 : i32 to index
        %parallel_loop3A_300 = arith.index_cast %parallel_loop3A_297 : i32 to index
        %parallel_loop3A_301 = arith.index_cast %parallel_loop3A_154 : i32 to index
        %parallel_loop3A_302 = tpu.vector_load %arg5[%parallel_loop3A_298, %parallel_loop3A_299, %parallel_loop3A_300, %parallel_loop3A_301] {strides = array<i32>} : memref<3x4x8x1024xf32, #tpu.memory_space<vmem>>, vector<1x1x1x16xf32>,
        %parallel_loop3A_303 = vector.shape_cast %parallel_loop3A_302 : vector<1x1x1x16xf32> to vector<16xf32>
        %parallel_loop3A_304 = vector.shape_cast %parallel_loop3A_286 : vector<16xf32> to vector<1x1x1x16xf32>
        tpu.vector_store %arg5[%parallel_loop3A_298, %parallel_loop3A_299, %parallel_loop3A_300, %parallel_loop3A_301], %parallel_loop3A_304 {add = true, strides = array<i32>} : memref<3x4x8x1024xf32, #tpu.memory_space<vmem>>, vector<1x1x1x16xf32>,
        %parallel_loop3A_305 = arith.constant 2 : i32
        %parallel_loop3A_306 = arith.constant 3 : i32
        %parallel_loop3A_307 = arith.index_cast %rem3A_81 : i32 to index
        %parallel_loop3A_308 = arith.index_cast %parallel_loop3A_305 : i32 to index
        %parallel_loop3A_309 = arith.index_cast %parallel_loop3A_306 : i32 to index
        %parallel_loop3A_310 = arith.index_cast %parallel_loop3A_154 : i32 to index
        %parallel_loop3A_311 = tpu.vector_load %arg5[%parallel_loop3A_307, %parallel_loop3A_308, %parallel_loop3A_309, %parallel_loop3A_310] {strides = array<i32>} : memref<3x4x8x1024xf32, #tpu.memory_space<vmem>>, vector<1x1x1x16xf32>,
        %parallel_loop3A_312 = vector.shape_cast %parallel_loop3A_311 : vector<1x1x1x16xf32> to vector<16xf32>
        %parallel_loop3A_313 = vector.shape_cast %parallel_loop3A_286 : vector<16xf32> to vector<1x1x1x16xf32>
        tpu.vector_store %arg5[%parallel_loop3A_307, %parallel_loop3A_308, %parallel_loop3A_309, %parallel_loop3A_310], %parallel_loop3A_313 {add = true, strides = array<i32>} : memref<3x4x8x1024xf32, #tpu.memory_space<vmem>>, vector<1x1x1x16xf32>,
        %parallel_loop3A_314 = arith.constant 3 : i32
        %parallel_loop3A_315 = arith.constant 3 : i32
        %parallel_loop3A_316 = arith.index_cast %rem3A_81 : i32 to index
        %parallel_loop3A_317 = arith.index_cast %parallel_loop3A_314 : i32 to index
        %parallel_loop3A_318 = arith.index_cast %parallel_loop3A_315 : i32 to index
        %parallel_loop3A_319 = arith.index_cast %parallel_loop3A_154 : i32 to index
        %parallel_loop3A_320 = tpu.vector_load %arg5[%parallel_loop3A_316, %parallel_loop3A_317, %parallel_loop3A_318, %parallel_loop3A_319] {strides = array<i32>} : memref<3x4x8x1024xf32, #tpu.memory_space<vmem>>, vector<1x1x1x16xf32>,
        %parallel_loop3A_321 = vector.shape_cast %parallel_loop3A_320 : vector<1x1x1x16xf32> to vector<16xf32>
        %parallel_loop3A_322 = vector.shape_cast %parallel_loop3A_286 : vector<16xf32> to vector<1x1x1x16xf32>
        tpu.vector_store %arg5[%parallel_loop3A_316, %parallel_loop3A_317, %parallel_loop3A_318, %parallel_loop3A_319], %parallel_loop3A_322 {add = true, strides = array<i32>} : memref<3x4x8x1024xf32, #tpu.memory_space<vmem>>, vector<1x1x1x16xf32>,
        %parallel_loop3A_323 = arith.constant 4 : i32
        %parallel_loop3A_324 = arith.index_cast %rem3A_83 : i32 to index
        %parallel_loop3A_325 = arith.index_cast %parallel_loop3A_323 : i32 to index
        %parallel_loop3A_326 = arith.index_cast %parallel_loop3A_154 : i32 to index
        %parallel_loop3A_327 = tpu.vector_load %arg6[%parallel_loop3A_324, %parallel_loop3A_325, %parallel_loop3A_326] {strides = array<i32>} : memref<2x8x1024xf32, #tpu.memory_space<vmem>>, vector<1x1x16xf32>,
        %parallel_loop3A_328 = vector.shape_cast %parallel_loop3A_327 : vector<1x1x16xf32> to vector<16xf32>
        %parallel_loop3A_329 = arith.constant 0 : i32
        %parallel_loop3A_330 = arith.constant 4 : i32
        %parallel_loop3A_331 = arith.index_cast %rem3A_81 : i32 to index
        %parallel_loop3A_332 = arith.index_cast %parallel_loop3A_329 : i32 to index
        %parallel_loop3A_333 = arith.index_cast %parallel_loop3A_330 : i32 to index
        %parallel_loop3A_334 = arith.index_cast %parallel_loop3A_154 : i32 to index
        %parallel_loop3A_335 = tpu.vector_load %arg5[%parallel_loop3A_331, %parallel_loop3A_332, %parallel_loop3A_333, %parallel_loop3A_334] {strides = array<i32>} : memref<3x4x8x1024xf32, #tpu.memory_space<vmem>>, vector<1x1x1x16xf32>,
        %parallel_loop3A_336 = vector.shape_cast %parallel_loop3A_335 : vector<1x1x1x16xf32> to vector<16xf32>
        %parallel_loop3A_337 = vector.shape_cast %parallel_loop3A_328 : vector<16xf32> to vector<1x1x1x16xf32>
        tpu.vector_store %arg5[%parallel_loop3A_331, %parallel_loop3A_332, %parallel_loop3A_333, %parallel_loop3A_334], %parallel_loop3A_337 {add = true, strides = array<i32>} : memref<3x4x8x1024xf32, #tpu.memory_space<vmem>>, vector<1x1x1x16xf32>,
        %parallel_loop3A_338 = arith.constant 1 : i32
        %parallel_loop3A_339 = arith.constant 4 : i32
        %parallel_loop3A_340 = arith.index_cast %rem3A_81 : i32 to index
        %parallel_loop3A_341 = arith.index_cast %parallel_loop3A_338 : i32 to index
        %parallel_loop3A_342 = arith.index_cast %parallel_loop3A_339 : i32 to index
        %parallel_loop3A_343 = arith.index_cast %parallel_loop3A_154 : i32 to index
        %parallel_loop3A_344 = tpu.vector_load %arg5[%parallel_loop3A_340, %parallel_loop3A_341, %parallel_loop3A_342, %parallel_loop3A_343] {strides = array<i32>} : memref<3x4x8x1024xf32, #tpu.memory_space<vmem>>, vector<1x1x1x16xf32>,
        %parallel_loop3A_345 = vector.shape_cast %parallel_loop3A_344 : vector<1x1x1x16xf32> to vector<16xf32>
        %parallel_loop3A_346 = vector.shape_cast %parallel_loop3A_328 : vector<16xf32> to vector<1x1x1x16xf32>
        tpu.vector_store %arg5[%parallel_loop3A_340, %parallel_loop3A_341, %parallel_loop3A_342, %parallel_loop3A_343], %parallel_loop3A_346 {add = true, strides = array<i32>} : memref<3x4x8x1024xf32, #tpu.memory_space<vmem>>, vector<1x1x1x16xf32>,
        %parallel_loop3A_347 = arith.constant 2 : i32
        %parallel_loop3A_348 = arith.constant 4 : i32
        %parallel_loop3A_349 = arith.index_cast %rem3A_81 : i32 to index
        %parallel_loop3A_350 = arith.index_cast %parallel_loop3A_347 : i32 to index
        %parallel_loop3A_351 = arith.index_cast %parallel_loop3A_348 : i32 to index
        %parallel_loop3A_352 = arith.index_cast %parallel_loop3A_154 : i32 to index
        %parallel_loop3A_353 = tpu.vector_load %arg5[%parallel_loop3A_349, %parallel_loop3A_350, %parallel_loop3A_351, %parallel_loop3A_352] {strides = array<i32>} : memref<3x4x8x1024xf32, #tpu.memory_space<vmem>>, vector<1x1x1x16xf32>,
        %parallel_loop3A_354 = vector.shape_cast %parallel_loop3A_353 : vector<1x1x1x16xf32> to vector<16xf32>
        %parallel_loop3A_355 = vector.shape_cast %parallel_loop3A_328 : vector<16xf32> to vector<1x1x1x16xf32>
        tpu.vector_store %arg5[%parallel_loop3A_349, %parallel_loop3A_350, %parallel_loop3A_351, %parallel_loop3A_352], %parallel_loop3A_355 {add = true, strides = array<i32>} : memref<3x4x8x1024xf32, #tpu.memory_space<vmem>>, vector<1x1x1x16xf32>,
        %parallel_loop3A_356 = arith.constant 3 : i32
        %parallel_loop3A_357 = arith.constant 4 : i32
        %parallel_loop3A_358 = arith.index_cast %rem3A_81 : i32 to index
        %parallel_loop3A_359 = arith.index_cast %parallel_loop3A_356 : i32 to index
        %parallel_loop3A_360 = arith.index_cast %parallel_loop3A_357 : i32 to index
        %parallel_loop3A_361 = arith.index_cast %parallel_loop3A_154 : i32 to index
        %parallel_loop3A_362 = tpu.vector_load %arg5[%parallel_loop3A_358, %parallel_loop3A_359, %parallel_loop3A_360, %parallel_loop3A_361] {strides = array<i32>} : memref<3x4x8x1024xf32, #tpu.memory_space<vmem>>, vector<1x1x1x16xf32>,
        %parallel_loop3A_363 = vector.shape_cast %parallel_loop3A_362 : vector<1x1x1x16xf32> to vector<16xf32>
        %parallel_loop3A_364 = vector.shape_cast %parallel_loop3A_328 : vector<16xf32> to vector<1x1x1x16xf32>
        tpu.vector_store %arg5[%parallel_loop3A_358, %parallel_loop3A_359, %parallel_loop3A_360, %parallel_loop3A_361], %parallel_loop3A_364 {add = true, strides = array<i32>} : memref<3x4x8x1024xf32, #tpu.memory_space<vmem>>, vector<1x1x1x16xf32>,
        %parallel_loop3A_365 = arith.constant 5 : i32
        %parallel_loop3A_366 = arith.index_cast %rem3A_83 : i32 to index
        %parallel_loop3A_367 = arith.index_cast %parallel_loop3A_365 : i32 to index
        %parallel_loop3A_368 = arith.index_cast %parallel_loop3A_154 : i32 to index
        %parallel_loop3A_369 = tpu.vector_load %arg6[%parallel_loop3A_366, %parallel_loop3A_367, %parallel_loop3A_368] {strides = array<i32>} : memref<2x8x1024xf32, #tpu.memory_space<vmem>>, vector<1x1x16xf32>,
        %parallel_loop3A_370 = vector.shape_cast %parallel_loop3A_369 : vector<1x1x16xf32> to vector<16xf32>
        %parallel_loop3A_371 = arith.constant 0 : i32
        %parallel_loop3A_372 = arith.constant 5 : i32
        %parallel_loop3A_373 = arith.index_cast %rem3A_81 : i32 to index
        %parallel_loop3A_374 = arith.index_cast %parallel_loop3A_371 : i32 to index
        %parallel_loop3A_375 = arith.index_cast %parallel_loop3A_372 : i32 to index
        %parallel_loop3A_376 = arith.index_cast %parallel_loop3A_154 : i32 to index
        %parallel_loop3A_377 = tpu.vector_load %arg5[%parallel_loop3A_373, %parallel_loop3A_374, %parallel_loop3A_375, %parallel_loop3A_376] {strides = array<i32>} : memref<3x4x8x1024xf32, #tpu.memory_space<vmem>>, vector<1x1x1x16xf32>,
        %parallel_loop3A_378 = vector.shape_cast %parallel_loop3A_377 : vector<1x1x1x16xf32> to vector<16xf32>
        %parallel_loop3A_379 = vector.shape_cast %parallel_loop3A_370 : vector<16xf32> to vector<1x1x1x16xf32>
        tpu.vector_store %arg5[%parallel_loop3A_373, %parallel_loop3A_374, %parallel_loop3A_375, %parallel_loop3A_376], %parallel_loop3A_379 {add = true, strides = array<i32>} : memref<3x4x8x1024xf32, #tpu.memory_space<vmem>>, vector<1x1x1x16xf32>,
        %parallel_loop3A_380 = arith.constant 1 : i32
        %parallel_loop3A_381 = arith.constant 5 : i32
        %parallel_loop3A_382 = arith.index_cast %rem3A_81 : i32 to index
        %parallel_loop3A_383 = arith.index_cast %parallel_loop3A_380 : i32 to index
        %parallel_loop3A_384 = arith.index_cast %parallel_loop3A_381 : i32 to index
        %parallel_loop3A_385 = arith.index_cast %parallel_loop3A_154 : i32 to index
        %parallel_loop3A_386 = tpu.vector_load %arg5[%parallel_loop3A_382, %parallel_loop3A_383, %parallel_loop3A_384, %parallel_loop3A_385] {strides = array<i32>} : memref<3x4x8x1024xf32, #tpu.memory_space<vmem>>, vector<1x1x1x16xf32>,
        %parallel_loop3A_387 = vector.shape_cast %parallel_loop3A_386 : vector<1x1x1x16xf32> to vector<16xf32>
        %parallel_loop3A_388 = vector.shape_cast %parallel_loop3A_370 : vector<16xf32> to vector<1x1x1x16xf32>
        tpu.vector_store %arg5[%parallel_loop3A_382, %parallel_loop3A_383, %parallel_loop3A_384, %parallel_loop3A_385], %parallel_loop3A_388 {add = true, strides = array<i32>} : memref<3x4x8x1024xf32, #tpu.memory_space<vmem>>, vector<1x1x1x16xf32>,
        %parallel_loop3A_389 = arith.constant 2 : i32
        %parallel_loop3A_390 = arith.constant 5 : i32
        %parallel_loop3A_391 = arith.index_cast %rem3A_81 : i32 to index
        %parallel_loop3A_392 = arith.index_cast %parallel_loop3A_389 : i32 to index
        %parallel_loop3A_393 = arith.index_cast %parallel_loop3A_390 : i32 to index
        %parallel_loop3A_394 = arith.index_cast %parallel_loop3A_154 : i32 to index
        %parallel_loop3A_395 = tpu.vector_load %arg5[%parallel_loop3A_391, %parallel_loop3A_392, %parallel_loop3A_393, %parallel_loop3A_394] {strides = array<i32>} : memref<3x4x8x1024xf32, #tpu.memory_space<vmem>>, vector<1x1x1x16xf32>,
        %parallel_loop3A_396 = vector.shape_cast %parallel_loop3A_395 : vector<1x1x1x16xf32> to vector<16xf32>
        %parallel_loop3A_397 = vector.shape_cast %parallel_loop3A_370 : vector<16xf32> to vector<1x1x1x16xf32>
        tpu.vector_store %arg5[%parallel_loop3A_391, %parallel_loop3A_392, %parallel_loop3A_393, %parallel_loop3A_394], %parallel_loop3A_397 {add = true, strides = array<i32>} : memref<3x4x8x1024xf32, #tpu.memory_space<vmem>>, vector<1x1x1x16xf32>,
        %parallel_loop3A_398 = arith.constant 3 : i32
        %parallel_loop3A_399 = arith.constant 5 : i32
        %parallel_loop3A_400 = arith.index_cast %rem3A_81 : i32 to index
        %parallel_loop3A_401 = arith.index_cast %parallel_loop3A_398 : i32 to index
        %parallel_loop3A_402 = arith.index_cast %parallel_loop3A_399 : i32 to index
        %parallel_loop3A_403 = arith.index_cast %parallel_loop3A_154 : i32 to index
        %parallel_loop3A_404 = tpu.vector_load %arg5[%parallel_loop3A_400, %parallel_loop3A_401, %parallel_loop3A_402, %parallel_loop3A_403] {strides = array<i32>} : memref<3x4x8x1024xf32, #tpu.memory_space<vmem>>, vector<1x1x1x16xf32>,
        %parallel_loop3A_405 = vector.shape_cast %parallel_loop3A_404 : vector<1x1x1x16xf32> to vector<16xf32>
        %parallel_loop3A_406 = vector.shape_cast %parallel_loop3A_370 : vector<16xf32> to vector<1x1x1x16xf32>
        tpu.vector_store %arg5[%parallel_loop3A_400, %parallel_loop3A_401, %parallel_loop3A_402, %parallel_loop3A_403], %parallel_loop3A_406 {add = true, strides = array<i32>} : memref<3x4x8x1024xf32, #tpu.memory_space<vmem>>, vector<1x1x1x16xf32>,
        %parallel_loop3A_407 = arith.constant 6 : i32
        %parallel_loop3A_408 = arith.index_cast %rem3A_83 : i32 to index
        %parallel_loop3A_409 = arith.index_cast %parallel_loop3A_407 : i32 to index
        %parallel_loop3A_410 = arith.index_cast %parallel_loop3A_154 : i32 to index
        %parallel_loop3A_411 = tpu.vector_load %arg6[%parallel_loop3A_408, %parallel_loop3A_409, %parallel_loop3A_410] {strides = array<i32>} : memref<2x8x1024xf32, #tpu.memory_space<vmem>>, vector<1x1x16xf32>,
        %parallel_loop3A_412 = vector.shape_cast %parallel_loop3A_411 : vector<1x1x16xf32> to vector<16xf32>
        %parallel_loop3A_413 = arith.constant 0 : i32
        %parallel_loop3A_414 = arith.constant 6 : i32
        %parallel_loop3A_415 = arith.index_cast %rem3A_81 : i32 to index
        %parallel_loop3A_416 = arith.index_cast %parallel_loop3A_413 : i32 to index
        %parallel_loop3A_417 = arith.index_cast %parallel_loop3A_414 : i32 to index
        %parallel_loop3A_418 = arith.index_cast %parallel_loop3A_154 : i32 to index
        %parallel_loop3A_419 = tpu.vector_load %arg5[%parallel_loop3A_415, %parallel_loop3A_416, %parallel_loop3A_417, %parallel_loop3A_418] {strides = array<i32>} : memref<3x4x8x1024xf32, #tpu.memory_space<vmem>>, vector<1x1x1x16xf32>,
        %parallel_loop3A_420 = vector.shape_cast %parallel_loop3A_419 : vector<1x1x1x16xf32> to vector<16xf32>
        %parallel_loop3A_421 = vector.shape_cast %parallel_loop3A_412 : vector<16xf32> to vector<1x1x1x16xf32>
        tpu.vector_store %arg5[%parallel_loop3A_415, %parallel_loop3A_416, %parallel_loop3A_417, %parallel_loop3A_418], %parallel_loop3A_421 {add = true, strides = array<i32>} : memref<3x4x8x1024xf32, #tpu.memory_space<vmem>>, vector<1x1x1x16xf32>,
        %parallel_loop3A_422 = arith.constant 1 : i32
        %parallel_loop3A_423 = arith.constant 6 : i32
        %parallel_loop3A_424 = arith.index_cast %rem3A_81 : i32 to index
        %parallel_loop3A_425 = arith.index_cast %parallel_loop3A_422 : i32 to index
        %parallel_loop3A_426 = arith.index_cast %parallel_loop3A_423 : i32 to index
        %parallel_loop3A_427 = arith.index_cast %parallel_loop3A_154 : i32 to index
        %parallel_loop3A_428 = tpu.vector_load %arg5[%parallel_loop3A_424, %parallel_loop3A_425, %parallel_loop3A_426, %parallel_loop3A_427] {strides = array<i32>} : memref<3x4x8x1024xf32, #tpu.memory_space<vmem>>, vector<1x1x1x16xf32>,
        %parallel_loop3A_429 = vector.shape_cast %parallel_loop3A_428 : vector<1x1x1x16xf32> to vector<16xf32>
        %parallel_loop3A_430 = vector.shape_cast %parallel_loop3A_412 : vector<16xf32> to vector<1x1x1x16xf32>
        tpu.vector_store %arg5[%parallel_loop3A_424, %parallel_loop3A_425, %parallel_loop3A_426, %parallel_loop3A_427], %parallel_loop3A_430 {add = true, strides = array<i32>} : memref<3x4x8x1024xf32, #tpu.memory_space<vmem>>, vector<1x1x1x16xf32>,
        %parallel_loop3A_431 = arith.constant 2 : i32
        %parallel_loop3A_432 = arith.constant 6 : i32
        %parallel_loop3A_433 = arith.index_cast %rem3A_81 : i32 to index
        %parallel_loop3A_434 = arith.index_cast %parallel_loop3A_431 : i32 to index
        %parallel_loop3A_435 = arith.index_cast %parallel_loop3A_432 : i32 to index
        %parallel_loop3A_436 = arith.index_cast %parallel_loop3A_154 : i32 to index
        %parallel_loop3A_437 = tpu.vector_load %arg5[%parallel_loop3A_433, %parallel_loop3A_434, %parallel_loop3A_435, %parallel_loop3A_436] {strides = array<i32>} : memref<3x4x8x1024xf32, #tpu.memory_space<vmem>>, vector<1x1x1x16xf32>,
        %parallel_loop3A_438 = vector.shape_cast %parallel_loop3A_437 : vector<1x1x1x16xf32> to vector<16xf32>
        %parallel_loop3A_439 = vector.shape_cast %parallel_loop3A_412 : vector<16xf32> to vector<1x1x1x16xf32>
        tpu.vector_store %arg5[%parallel_loop3A_433, %parallel_loop3A_434, %parallel_loop3A_435, %parallel_loop3A_436], %parallel_loop3A_439 {add = true, strides = array<i32>} : memref<3x4x8x1024xf32, #tpu.memory_space<vmem>>, vector<1x1x1x16xf32>,
        %parallel_loop3A_440 = arith.constant 3 : i32
        %parallel_loop3A_441 = arith.constant 6 : i32
        %parallel_loop3A_442 = arith.index_cast %rem3A_81 : i32 to index
        %parallel_loop3A_443 = arith.index_cast %parallel_loop3A_440 : i32 to index
        %parallel_loop3A_444 = arith.index_cast %parallel_loop3A_441 : i32 to index
        %parallel_loop3A_445 = arith.index_cast %parallel_loop3A_154 : i32 to index
        %parallel_loop3A_446 = tpu.vector_load %arg5[%parallel_loop3A_442, %parallel_loop3A_443, %parallel_loop3A_444, %parallel_loop3A_445] {strides = array<i32>} : memref<3x4x8x1024xf32, #tpu.memory_space<vmem>>, vector<1x1x1x16xf32>,
        %parallel_loop3A_447 = vector.shape_cast %parallel_loop3A_446 : vector<1x1x1x16xf32> to vector<16xf32>
        %parallel_loop3A_448 = vector.shape_cast %parallel_loop3A_412 : vector<16xf32> to vector<1x1x1x16xf32>
        tpu.vector_store %arg5[%parallel_loop3A_442, %parallel_loop3A_443, %parallel_loop3A_444, %parallel_loop3A_445], %parallel_loop3A_448 {add = true, strides = array<i32>} : memref<3x4x8x1024xf32, #tpu.memory_space<vmem>>, vector<1x1x1x16xf32>,
        %parallel_loop3A_449 = arith.constant 7 : i32
        %parallel_loop3A_450 = arith.index_cast %rem3A_83 : i32 to index
        %parallel_loop3A_451 = arith.index_cast %parallel_loop3A_449 : i32 to index
        %parallel_loop3A_452 = arith.index_cast %parallel_loop3A_154 : i32 to index
        %parallel_loop3A_453 = tpu.vector_load %arg6[%parallel_loop3A_450, %parallel_loop3A_451, %parallel_loop3A_452] {strides = array<i32>} : memref<2x8x1024xf32, #tpu.memory_space<vmem>>, vector<1x1x16xf32>,
        %parallel_loop3A_454 = vector.shape_cast %parallel_loop3A_453 : vector<1x1x16xf32> to vector<16xf32>
        %parallel_loop3A_455 = arith.constant 0 : i32
        %parallel_loop3A_456 = arith.constant 7 : i32
        %parallel_loop3A_457 = arith.index_cast %rem3A_81 : i32 to index
        %parallel_loop3A_458 = arith.index_cast %parallel_loop3A_455 : i32 to index
        %parallel_loop3A_459 = arith.index_cast %parallel_loop3A_456 : i32 to index
        %parallel_loop3A_460 = arith.index_cast %parallel_loop3A_154 : i32 to index
        %parallel_loop3A_461 = tpu.vector_load %arg5[%parallel_loop3A_457, %parallel_loop3A_458, %parallel_loop3A_459, %parallel_loop3A_460] {strides = array<i32>} : memref<3x4x8x1024xf32, #tpu.memory_space<vmem>>, vector<1x1x1x16xf32>,
        %parallel_loop3A_462 = vector.shape_cast %parallel_loop3A_461 : vector<1x1x1x16xf32> to vector<16xf32>
        %parallel_loop3A_463 = vector.shape_cast %parallel_loop3A_454 : vector<16xf32> to vector<1x1x1x16xf32>
        tpu.vector_store %arg5[%parallel_loop3A_457, %parallel_loop3A_458, %parallel_loop3A_459, %parallel_loop3A_460], %parallel_loop3A_463 {add = true, strides = array<i32>} : memref<3x4x8x1024xf32, #tpu.memory_space<vmem>>, vector<1x1x1x16xf32>,
        %parallel_loop3A_464 = arith.constant 1 : i32
        %parallel_loop3A_465 = arith.constant 7 : i32
        %parallel_loop3A_466 = arith.index_cast %rem3A_81 : i32 to index
        %parallel_loop3A_467 = arith.index_cast %parallel_loop3A_464 : i32 to index
        %parallel_loop3A_468 = arith.index_cast %parallel_loop3A_465 : i32 to index
        %parallel_loop3A_469 = arith.index_cast %parallel_loop3A_154 : i32 to index
        %parallel_loop3A_470 = tpu.vector_load %arg5[%parallel_loop3A_466, %parallel_loop3A_467, %parallel_loop3A_468, %parallel_loop3A_469] {strides = array<i32>} : memref<3x4x8x1024xf32, #tpu.memory_space<vmem>>, vector<1x1x1x16xf32>,
        %parallel_loop3A_471 = vector.shape_cast %parallel_loop3A_470 : vector<1x1x1x16xf32> to vector<16xf32>
        %parallel_loop3A_472 = vector.shape_cast %parallel_loop3A_454 : vector<16xf32> to vector<1x1x1x16xf32>
        tpu.vector_store %arg5[%parallel_loop3A_466, %parallel_loop3A_467, %parallel_loop3A_468, %parallel_loop3A_469], %parallel_loop3A_472 {add = true, strides = array<i32>} : memref<3x4x8x1024xf32, #tpu.memory_space<vmem>>, vector<1x1x1x16xf32>,
        %parallel_loop3A_473 = arith.constant 2 : i32
        %parallel_loop3A_474 = arith.constant 7 : i32
        %parallel_loop3A_475 = arith.index_cast %rem3A_81 : i32 to index
        %parallel_loop3A_476 = arith.index_cast %parallel_loop3A_473 : i32 to index
        %parallel_loop3A_477 = arith.index_cast %parallel_loop3A_474 : i32 to index
        %parallel_loop3A_478 = arith.index_cast %parallel_loop3A_154 : i32 to index
        %parallel_loop3A_479 = tpu.vector_load %arg5[%parallel_loop3A_475, %parallel_loop3A_476, %parallel_loop3A_477, %parallel_loop3A_478] {strides = array<i32>} : memref<3x4x8x1024xf32, #tpu.memory_space<vmem>>, vector<1x1x1x16xf32>,
        %parallel_loop3A_480 = vector.shape_cast %parallel_loop3A_479 : vector<1x1x1x16xf32> to vector<16xf32>
        %parallel_loop3A_481 = vector.shape_cast %parallel_loop3A_454 : vector<16xf32> to vector<1x1x1x16xf32>
        tpu.vector_store %arg5[%parallel_loop3A_475, %parallel_loop3A_476, %parallel_loop3A_477, %parallel_loop3A_478], %parallel_loop3A_481 {add = true, strides = array<i32>} : memref<3x4x8x1024xf32, #tpu.memory_space<vmem>>, vector<1x1x1x16xf32>,
        %parallel_loop3A_482 = arith.constant 3 : i32
        %parallel_loop3A_483 = arith.constant 7 : i32
        %parallel_loop3A_484 = arith.index_cast %rem3A_81 : i32 to index
        %parallel_loop3A_485 = arith.index_cast %parallel_loop3A_482 : i32 to index
        %parallel_loop3A_486 = arith.index_cast %parallel_loop3A_483 : i32 to index
        %parallel_loop3A_487 = arith.index_cast %parallel_loop3A_154 : i32 to index
        %parallel_loop3A_488 = tpu.vector_load %arg5[%parallel_loop3A_484, %parallel_loop3A_485, %parallel_loop3A_486, %parallel_loop3A_487] {strides = array<i32>} : memref<3x4x8x1024xf32, #tpu.memory_space<vmem>>, vector<1x1x1x16xf32>,
        %parallel_loop3A_489 = vector.shape_cast %parallel_loop3A_488 : vector<1x1x1x16xf32> to vector<16xf32>
        %parallel_loop3A_490 = vector.shape_cast %parallel_loop3A_454 : vector<16xf32> to vector<1x1x1x16xf32>
        tpu.vector_store %arg5[%parallel_loop3A_484, %parallel_loop3A_485, %parallel_loop3A_486, %parallel_loop3A_487], %parallel_loop3A_490 {add = true, strides = array<i32>} : memref<3x4x8x1024xf32, #tpu.memory_space<vmem>>, vector<1x1x1x16xf32>,
      } {sc.loop_unroll_factor = 2 : i64, sc.parallel_access}
      %mul3A_124 = arith.constant 8 : i32
      %mul3A_125 = arith.muli %scan3A_79, %mul3A_124 : i32
      %add3A_126 = arith.addi %mul3A_2, %mul3A_125 : i32
      %dma_start3A_127 = arith.constant 0 : i32
      %dma_start3A_128 = arith.constant 0 : i32
      %dma_start3A_129 = arith.constant 0 : i32
      %dma_start3A_130 = tpu.memref_slice %arg5[%rem3A_81, %dma_start3A_127, %dma_start3A_128, %dma_start3A_129] : memref<3x4x8x1024xf32, #tpu.memory_space<vmem>> -> memref<1x4x8x1024xf32, #tpu.memory_space<vmem>>
      %dma_start3A_131 = tpu.memref_squeeze %dma_start3A_130 : memref<1x4x8x1024xf32, #tpu.memory_space<vmem>> -> memref<4x8x1024xf32, #tpu.memory_space<vmem>>
      %dma_start3A_132 = arith.constant 0 : i32
      %dma_start3A_133 = arith.constant 0 : i32
      %dma_start3A_134 = tpu.memref_slice %arg4[%dma_start3A_132, %add3A_126, %dma_start3A_133] : memref<4x8192x1024xf32, #tpu.memory_space<hbm>> -> memref<4x8x1024xf32, #tpu.memory_space<hbm>>
      %dma_start3A_135 = arith.constant 0 : i32
      %dma_start3A_136 = arith.constant 0 : i32
      %dma_start3A_137 = tpu.memref_slice %arg4[%dma_start3A_135, %add3A_126, %dma_start3A_136] : memref<4x8192x1024xf32, #tpu.memory_space<hbm>> -> memref<4x8x1024xf32, #tpu.memory_space<hbm>>
      %dma_start3A_138 = arith.constant 0 : i32
      %dma_start3A_139 = arith.constant 0 : i32
      %dma_start3A_140 = arith.constant 0 : i32
      %dma_start3A_141 = tpu.memref_slice %arg5[%rem3A_81, %dma_start3A_138, %dma_start3A_139, %dma_start3A_140] : memref<3x4x8x1024xf32, #tpu.memory_space<vmem>> -> memref<1x4x8x1024xf32, #tpu.memory_space<vmem>>
      %dma_start3A_142 = tpu.memref_squeeze %dma_start3A_141 : memref<1x4x8x1024xf32, #tpu.memory_space<vmem>> -> memref<4x8x1024xf32, #tpu.memory_space<vmem>>
      tpu.enqueue_dma source(%dma_start3A_142 : memref<4x8x1024xf32, #tpu.memory_space<vmem>>) target(%dma_start3A_137 : memref<4x8x1024xf32, #tpu.memory_space<hbm>>) target_semaphore(%arg9 : memref<!tpu.dma_semaphore, #tpu.memory_space<semaphore_mem>>)
      %ge3A = arith.constant 1 : i32
      %ge3A_143 = arith.cmpi sge, %scan3A_79, %ge3A : i32
      %convert_element_type3A_144 = arith.extui %ge3A_143 : i1 to i32
      %cond3A_145 = arith.constant 0 : i32
      %cond3A_146 = arith.cmpi ne, %convert_element_type3A_144, %cond3A_145 : i32
      scf.if %cond3A_146 {
        %sub3A = arith.constant 1 : i32
        %sub3A_154 = arith.subi %scan3A_79, %sub3A : i32
        %sub3A_155 = arith.constant 1 : i32
        %sub3A_156 = arith.subi %scan3A_79, %sub3A_155 : i32
        %rem3A_157 = arith.constant 3 : i32
        %rem3A_158 = arith.remsi %sub3A_156, %rem3A_157 : i32
        %mul3A_159 = arith.constant 8 : i32
        %mul3A_160 = arith.muli %sub3A_154, %mul3A_159 : i32
        %add3A_161 = arith.addi %mul3A_2, %mul3A_160 : i32
        %dma_wait3A_162 = arith.constant 0 : i32
        %dma_wait3A_163 = arith.constant 0 : i32
        %dma_wait3A_164 = arith.constant 0 : i32
        %dma_wait3A_165 = tpu.memref_slice %arg5[%rem3A_158, %dma_wait3A_162, %dma_wait3A_163, %dma_wait3A_164] : memref<3x4x8x1024xf32, #tpu.memory_space<vmem>> -> memref<1x4x8x1024xf32, #tpu.memory_space<vmem>>
        %dma_wait3A_166 = tpu.memref_squeeze %dma_wait3A_165 : memref<1x4x8x1024xf32, #tpu.memory_space<vmem>> -> memref<4x8x1024xf32, #tpu.memory_space<vmem>>
        %dma_wait3A_167 = arith.constant 0 : i32
        %dma_wait3A_168 = arith.constant 0 : i32
        %dma_wait3A_169 = tpu.memref_slice %arg4[%dma_wait3A_167, %add3A_161, %dma_wait3A_168] : memref<4x8192x1024xf32, #tpu.memory_space<hbm>> -> memref<4x8x1024xf32, #tpu.memory_space<hbm>>
        %dma_wait3A_170 = arith.constant 0 : i32
        %dma_wait3A_171 = arith.constant 0 : i32
        %dma_wait3A_172 = tpu.memref_slice %arg4[%dma_wait3A_170, %add3A_161, %dma_wait3A_171] : memref<4x8192x1024xf32, #tpu.memory_space<hbm>> -> memref<4x8x1024xf32, #tpu.memory_space<hbm>>
        %dma_wait3A_173 = arith.constant 0 : i32
        %dma_wait3A_174 = arith.constant 0 : i32
        %dma_wait3A_175 = arith.constant 0 : i32
        %dma_wait3A_176 = tpu.memref_slice %arg5[%rem3A_158, %dma_wait3A_173, %dma_wait3A_174, %dma_wait3A_175] : memref<3x4x8x1024xf32, #tpu.memory_space<vmem>> -> memref<1x4x8x1024xf32, #tpu.memory_space<vmem>>
        %dma_wait3A_177 = tpu.memref_squeeze %dma_wait3A_176 : memref<1x4x8x1024xf32, #tpu.memory_space<vmem>> -> memref<4x8x1024xf32, #tpu.memory_space<vmem>>
        tpu.wait_dma2 semaphore(%arg9 : memref<!tpu.dma_semaphore, #tpu.memory_space<semaphore_mem>>) src(%dma_wait3A_177 : memref<4x8x1024xf32, #tpu.memory_space<vmem>>) dst(%dma_wait3A_172 : memref<4x8x1024xf32, #tpu.memory_space<hbm>>)
      } else {
      }
      %add3A_147 = arith.constant 2 : i32
      %add3A_148 = arith.addi %scan3A_79, %add3A_147 : i32
      %lt3A_149 = arith.constant 32 : i32
      %lt3A_150 = arith.cmpi slt, %add3A_148, %lt3A_149 : i32
      %convert_element_type3A_151 = arith.extui %lt3A_150 : i1 to i32
      %cond3A_152 = arith.constant 0 : i32
      %cond3A_153 = arith.cmpi ne, %convert_element_type3A_151, %cond3A_152 : i32
      scf.if %cond3A_153 {
        %add3A_154 = arith.constant 2 : i32
        %add3A_155 = arith.addi %scan3A_79, %add3A_154 : i32
        %add3A_156 = arith.constant 2 : i32
        %add3A_157 = arith.addi %scan3A_79, %add3A_156 : i32
        %rem3A_158 = arith.constant 3 : i32
        %rem3A_159 = arith.remsi %add3A_157, %rem3A_158 : i32
        %mul3A_160 = arith.constant 8 : i32
        %mul3A_161 = arith.muli %add3A_155, %mul3A_160 : i32
        %add3A_162 = arith.addi %mul3A_2, %mul3A_161 : i32
        %dma_start3A_163 = arith.constant 0 : i32
        %dma_start3A_164 = arith.constant 0 : i32
        %dma_start3A_165 = arith.constant 0 : i32
        %dma_start3A_166 = tpu.memref_slice %arg5[%rem3A_159, %dma_start3A_163, %dma_start3A_164, %dma_start3A_165] : memref<3x4x8x1024xf32, #tpu.memory_space<vmem>> -> memref<1x4x8x1024xf32, #tpu.memory_space<vmem>>
        %dma_start3A_167 = tpu.memref_squeeze %dma_start3A_166 : memref<1x4x8x1024xf32, #tpu.memory_space<vmem>> -> memref<4x8x1024xf32, #tpu.memory_space<vmem>>
        %dma_start3A_168 = arith.constant 0 : i32
        %dma_start3A_169 = arith.constant 0 : i32
        %dma_start3A_170 = tpu.memref_slice %arg2[%dma_start3A_168, %add3A_162, %dma_start3A_169] : memref<4x8192x1024xf32, #tpu.memory_space<hbm>> -> memref<4x8x1024xf32, #tpu.memory_space<hbm>>
        %dma_start3A_171 = arith.constant 0 : i32
        %dma_start3A_172 = arith.constant 0 : i32
        %dma_start3A_173 = arith.constant 0 : i32
        %dma_start3A_174 = tpu.memref_slice %arg5[%rem3A_159, %dma_start3A_171, %dma_start3A_172, %dma_start3A_173] : memref<3x4x8x1024xf32, #tpu.memory_space<vmem>> -> memref<1x4x8x1024xf32, #tpu.memory_space<vmem>>
        %dma_start3A_175 = tpu.memref_squeeze %dma_start3A_174 : memref<1x4x8x1024xf32, #tpu.memory_space<vmem>> -> memref<4x8x1024xf32, #tpu.memory_space<vmem>>
        %dma_start3A_176 = arith.constant 0 : i32
        %dma_start3A_177 = arith.constant 0 : i32
        %dma_start3A_178 = tpu.memref_slice %arg2[%dma_start3A_176, %add3A_162, %dma_start3A_177] : memref<4x8192x1024xf32, #tpu.memory_space<hbm>> -> memref<4x8x1024xf32, #tpu.memory_space<hbm>>
        tpu.enqueue_dma source(%dma_start3A_178 : memref<4x8x1024xf32, #tpu.memory_space<hbm>>) target(%dma_start3A_175 : memref<4x8x1024xf32, #tpu.memory_space<vmem>>) target_semaphore(%arg7 : memref<!tpu.dma_semaphore, #tpu.memory_space<semaphore_mem>>)
      } else {
      }
    }
    %scan3A_59 = arith.constant 32 : i32
    %rem3A = arith.constant 31 : i32
    %rem3A_60 = arith.constant 3 : i32
    %rem3A_61 = arith.remsi %rem3A, %rem3A_60 : i32
    %add3A_62 = arith.constant 248 : i32
    %add3A_63 = arith.addi %mul3A_2, %add3A_62 : i32
    %dma_wait3A = arith.constant 0 : i32
    %dma_wait3A_64 = arith.constant 0 : i32
    %dma_wait3A_65 = arith.constant 0 : i32
    %dma_wait3A_66 = tpu.memref_slice %arg5[%rem3A_61, %dma_wait3A, %dma_wait3A_64, %dma_wait3A_65] : memref<3x4x8x1024xf32, #tpu.memory_space<vmem>> -> memref<1x4x8x1024xf32, #tpu.memory_space<vmem>>
    %dma_wait3A_67 = tpu.memref_squeeze %dma_wait3A_66 : memref<1x4x8x1024xf32, #tpu.memory_space<vmem>> -> memref<4x8x1024xf32, #tpu.memory_space<vmem>>
    %dma_wait3A_68 = arith.constant 0 : i32
    %dma_wait3A_69 = arith.constant 0 : i32
    %dma_wait3A_70 = tpu.memref_slice %arg4[%dma_wait3A_68, %add3A_63, %dma_wait3A_69] : memref<4x8192x1024xf32, #tpu.memory_space<hbm>> -> memref<4x8x1024xf32, #tpu.memory_space<hbm>>
    %dma_wait3A_71 = arith.constant 0 : i32
    %dma_wait3A_72 = arith.constant 0 : i32
    %dma_wait3A_73 = tpu.memref_slice %arg4[%dma_wait3A_71, %add3A_63, %dma_wait3A_72] : memref<4x8192x1024xf32, #tpu.memory_space<hbm>> -> memref<4x8x1024xf32, #tpu.memory_space<hbm>>
    %dma_wait3A_74 = arith.constant 0 : i32
    %dma_wait3A_75 = arith.constant 0 : i32
    %dma_wait3A_76 = arith.constant 0 : i32
    %dma_wait3A_77 = tpu.memref_slice %arg5[%rem3A_61, %dma_wait3A_74, %dma_wait3A_75, %dma_wait3A_76] : memref<3x4x8x1024xf32, #tpu.memory_space<vmem>> -> memref<1x4x8x1024xf32, #tpu.memory_space<vmem>>
    %dma_wait3A_78 = tpu.memref_squeeze %dma_wait3A_77 : memref<1x4x8x1024xf32, #tpu.memory_space<vmem>> -> memref<4x8x1024xf32, #tpu.memory_space<vmem>>
    tpu.wait_dma2 semaphore(%arg9 : memref<!tpu.dma_semaphore, #tpu.memory_space<semaphore_mem>>) src(%dma_wait3A_78 : memref<4x8x1024xf32, #tpu.memory_space<vmem>>) dst(%dma_wait3A_73 : memref<4x8x1024xf32, #tpu.memory_space<hbm>>)
    return
  }
}

</mosaic_0001>

<sc_bundles>
// kernel: kernel.3.cloned.1.call-start
scs
__scs_entry_jumppad:
0x0: {  	(pc) =	sbr.rel $0x88, $3  }
0x1: {  	(tag) =	ssettag $0x0;
	lr =	simm.s32 $0x1  }
0x2: {  	[smem:$0x3F9F] =	sst lr;
	_ =	strace $0xD0000000  }
0x3: {  	_ = 	snop  }
0x4: {  	_ = 	snop  }
0x5: {  	_ = 	snop  }
0x6: {  	_ = 	snop  }
0x7: {  	_ = 	snop  }
__scs_overlays_trampoline_lowered:
0x8: {  	[smem:$0x3FAE] =	sst s0  }
0x9: {  	[smem:$0x3FAF] =	sst s1  }
0xa: {  	[smem:$0x3FB0] =	sst s2  }
0xb: {  	[smem:$0x3FB1] =	sst s3  }
0xc: {  	[smem:$0x3FB2] =	sst s4  }
0xd: {  	[smem:$0x3FB3] =	sst s5  }
0xe: {  	[smem:$0x3FB4] =	sst s6  }
0xf: {  	[smem:$0x3FB5] =	sst s7  }
0x10: {  	[smem:$0x3FB6] =	sst s8  }
0x11: {  	[smem:$0x3FB7] =	sst s9;
	s0 =	simm.s32 @!p0 $0x0  }
0x12: {  	s1 =	sld [smem:$0x3F9D];
	s0 =	simm.s32 @p0 $0x1  }
0x13: {  	[smem:$0x3FB8] =	sst s0;
	s0 =	simm.s32 @!p1 $0x0  }
0x14: {  	s2 =	sld [smem:$0x3F9C];
	s0 =	simm.s32 @p1 $0x1  }
0x15: {  	[smem:$0x3FB9] =	sst s0;
	s0 =	simm.s32 @!p2 $0x0  }
0x16: {  	s3 =	sld [smem:$0x3FDB];
	s0 =	simm.s32 @p2 $0x1  }
0x17: {  	s4 =	simm.s32 $0x1BF5;
	[smem:$0x3FBB] =	sst s0  }
0x18: {  	s0 =	sld [smem:$0x3F9E];
	_ =	swait.ge [sflag:s4], $0x0  }
0x19: {  	s7 =	sld [smem:$0x3F9F]  }
0x1a: {  	s8 =	sadd.s32 $0xFFFFE003, lr  }
0x1b: {  	s9 =	sadd.s32 $0xFFFFFEF7, lr;
	s5 =	simm.s32 $0xFFFFFFFF;
	p2 =	slt.u32 s8, $0xFFFFF086  }
0x1c: {  	p1 =	slt.u32 s9, $0xF7A;
	s5 =	simm.s32 @!p2 $0x0  }
0x1d: {  	s5 =	simm.s32 @p1 $0x1;
	p0 =	seq.s32 s7, s2  }
0x1e: {  	s7 =	smul.u32 @!p0 $0xF7A, s2;
	p2 =	seq.s32 @!p0 s5, $0x0  }
0x1f: {  	s9 =	smul.u32 $0xF7A, s1;
	s8 =	simm.s32 @!p0 $0x1BF5;
	p2 =	por !p2, p0  }
0x20: {  	[sflag:s8] =	ssyncset.s32 @!p0 $0xFFFFF086;
	s6 =	sadd.s32 @!p0 s3, s7;
	s7 =	simm.s32 @!p0 $0x108  }
0x21: {  	s3 =	sadd.s32 s3, s9;
	s6 =	sadd.s32 @!p0 $0x88, s6;
	s7 =	simm.s32 @p2 $0x1082  }
0x22: {  	[simem:s7], [sflag:s8] =	dma.local @!p0 [hbm:s6], $0xF7A  }
0x23: {  	s9 =	sor.u32 $0xD0000000, s2;
	s6 =	simm.s32 $0x108;
	_ =	swait.ge @!p0 [sflag:s8], $0x0  }
0x24: {  	s3 =	sadd.s32 $0x88, s3;
	s6 =	simm.s32 @!p1 $0x1082;
	[sflag:s4] =	ssyncset.s32 $0xFFFFF086  }
0x25: {  	[simem:s6], [sflag:s4] =	dma.local [hbm:s3], $0xF7A  }
0x26: {  	[smem:$0x3F9F] =	sst s1;
	(tag) =	ssettag s2;
	_ =	strace s9  }
0x27: {  	s1 =	sld [smem:$0x3FAF]  }
0x28: {  	s2 =	sld [smem:$0x3FB0]  }
0x29: {  	s4 =	sld [smem:$0x3FB2]  }
0x2a: {  	p0 =	seq.s32 s5, $0x0;
	s5 =	sld [smem:$0x3FB3]  }
0x2b: {  	s6 =	sld [smem:$0x3FB4]  }
0x2c: {  	s7 =	sld [smem:$0x3FB5]  }
0x2d: {  	s3 =	simm.s32 $0x108;
	s8 =	sld [smem:$0x3FB6]  }
0x2e: {  	s3 =	simm.s32 @!p0 $0x1082;
	s9 =	sld [smem:$0x3FB7]  }
0x2f: {  	lr =	sadd.s32 s0, s3;
	s0 =	sld [smem:$0x3FAE]  }
0x30: {  	s3 =	sld [smem:$0x3FB1]  }
0x31: {  	[smem:$0x3FBA] =	sst s10  }
0x32: {  	s10 =	sld [smem:$0x3FB8];
	_ =	sdelay $0x3  }
0x33: {  	p0 =	seq.s32 s10, $0x1;
	s10 =	sld [smem:$0x3FBA];
	_ =	sdelay $0x3  }
0x34: {  	[smem:$0x3FBA] =	sst s10  }
0x35: {  	s10 =	sld [smem:$0x3FB9];
	_ =	sdelay $0x3  }
0x36: {  	p1 =	seq.s32 s10, $0x1;
	s10 =	sld [smem:$0x3FBA];
	_ =	sdelay $0x3  }
0x37: {  	[smem:$0x3FBA] =	sst s10  }
0x38: {  	s10 =	sld [smem:$0x3FBB]  }
0x39: {  	_ = 	snop;
	(pc) =	sbr.ind lr, $3  }
0x3a: {  	_ = 	snop  }
0x3b: {  	_ = 	snop  }
0x3c: {  	p2 =	seq.s32 s10, $0x1;
	s10 =	sld [smem:$0x3FBA]  }
0x3d: {  	_ =	shalt  }
0x3e: {  	_ =	shalt  }
0x3f: {  	_ =	shalt  }
0x40: {  	_ =	shalt  }
0x41: {  	_ =	shalt  }
0x42: {  	_ =	shalt  }
0x43: {  	_ =	shalt  }
0x44: {  	_ =	shalt  }
0x45: {  	_ =	shalt  }
0x46: {  	_ =	shalt  }
0x47: {  	_ =	shalt  }
0x48: {  	_ =	shalt  }
0x49: {  	_ =	shalt  }
0x4a: {  	_ =	shalt  }
0x4b: {  	_ =	shalt  }
0x4c: {  	_ =	shalt  }
0x4d: {  	_ =	shalt  }
0x4e: {  	_ =	shalt  }
0x4f: {  	_ =	shalt  }
0x50: {  	_ =	shalt  }
0x51: {  	_ =	shalt  }
0x52: {  	_ =	shalt  }
0x53: {  	_ =	shalt  }
0x54: {  	_ =	shalt  }
0x55: {  	_ =	shalt  }
0x56: {  	_ =	shalt  }
0x57: {  	_ =	shalt  }
0x58: {  	_ =	shalt  }
0x59: {  	_ =	shalt  }
0x5a: {  	_ =	shalt  }
0x5b: {  	_ =	shalt  }
0x5c: {  	_ =	shalt  }
0x5d: {  	_ =	shalt  }
0x5e: {  	_ =	shalt  }
0x5f: {  	_ =	shalt  }
0x60: {  	_ =	shalt  }
0x61: {  	_ =	shalt  }
0x62: {  	_ =	shalt  }
0x63: {  	_ =	shalt  }
0x64: {  	_ =	shalt  }
0x65: {  	_ =	shalt  }
0x66: {  	_ =	shalt  }
0x67: {  	_ =	shalt  }
0x68: {  	_ =	shalt  }
0x69: {  	_ =	shalt  }
0x6a: {  	_ =	shalt  }
0x6b: {  	_ =	shalt  }
0x6c: {  	_ =	shalt  }
0x6d: {  	_ =	shalt  }
0x6e: {  	_ =	shalt  }
0x6f: {  	_ =	shalt  }
0x70: {  	_ =	shalt  }
0x71: {  	_ =	shalt  }
0x72: {  	_ =	shalt  }
0x73: {  	_ =	shalt  }
0x74: {  	_ =	shalt  }
0x75: {  	_ =	shalt  }
0x76: {  	_ =	shalt  }
0x77: {  	_ =	shalt  }
0x78: {  	_ =	shalt  }
0x79: {  	_ =	shalt  }
0x7a: {  	_ =	shalt  }
0x7b: {  	_ =	shalt  }
0x7c: {  	_ =	shalt  }
0x7d: {  	_ =	shalt  }
0x7e: {  	_ =	shalt  }
0x7f: {  	_ =	shalt  }
0x80: {  	_ =	shalt  }
0x81: {  	_ =	shalt  }
0x82: {  	_ =	shalt  }
0x83: {  	_ =	shalt  }
0x84: {  	_ =	shalt  }
0x85: {  	_ =	shalt  }
0x86: {  	_ =	shalt  }
0x87: {  	_ =	shalt  }
.Lfunc_end0:
.L_simem_size_0:
called_computation_lowered:
.L_overlay_start_0:
0x88: {  	s2 =	sld [smem:$0x3FD9]  }
0x89: {  	s3 =	sld [smem:$0x3FFE];
	_ =	sdelay $0x1  }
0x8a: {  	s1 =	srdreg.scid  }
0x8b: {  	s0 =	sand.u32 $0x1, s1  }
0x8c: {  	s18 =	sshll.u32 s0, $0xA;
	s2 =	sadd.s32 s3, s2  }
0x8d: {  	s2 =	sadd.s32 s2, s18  }
0x8e: {  	[smem:$0x3FC6] =	sst s2  }
0x8f: {  	_ = 	snop  }
0x90: {  	s2 =	sld [smem:$0x3FC9]  }
0x91: {  	s19 =	sld [smem:$0x3FC8]  }
0x92: {  	s4 =	sld [smem:$0x3FD0];
	(tm) =	ssettm $0x1  }
0x93: {  	s5 =	sld [smem:$0x3FFB];
	_ =	sdelay $0x3  }
0x94: {  	_ =	strace s5  }
0x95: {  	s5 =	sld [smem:$0x3FFC];
	_ =	sdelay $0x3  }
0x96: {  	_ =	strace s5  }
0x97: {  	s5 =	sld [smem:$0x3FFD];
	_ =	sdelay $0x3  }
0x98: {  	_ =	strace s5  }
0x99: {  	_ =	strace $0x8FFFFFFF  }
0x9a: {  	s20 =	sld [smem:$0x3FDB];
	_ =	sdelay $0x1  }
0x9b: {  	s6 =	simm.s32 $_scs_section_size  }
0x9c: {  	s7 =	simm.s32 $_size__tile_overlayer_lowered;
	s8 =	simm.s32 $_tile_overlayer_lowered  }
0x9d: {  	s23 =	simm.s32 $0x1BFF;
	s22 =	sshll.u32 s8, $0x1;
	s5 =	sadd.s32 s6, s20  }
0x9e: {  	s9 =	simm.s32 $0x0;
	s21 =	sshll.u32 s7, $0x1;
	s7 =	sadd.s32 s22, s5  }
0x9f: {  	[timem:s9], [sflag:s23] =	dma.local [hbm:s7], s21  }
0xa0: {  	_ =	swait.ge [sflag:s23], s21  }
0xa1: {  	s6 =	ssub.s32 $0x0, s21;
	[sflag:s23] =	ssyncset.done $0x0  }
0xa2: {  	[sflag:s23] =	ssyncadd.s32 s6;
	_ =	sdelay $0x1  }
0xa3: {  	s24 =	simm.s32 $0x1B8B  }
0xa4: {  	_ =	swait.ge [sflag:s24], $0x1  }
0xa5: {  	[sflag:s24] =	ssyncset.done $0x0  }
0xa6: {  	s25 =	simm.s32 $0x1B8E;
	[sflag:s24] =	ssyncadd.s32 $0xFFFFFFFF  }
0xa7: {  	s26 =	simm.s32 $execute0_lowered;
	[smem:$0x3FD2] =	sst s25  }
0xa8: {  	s6 =	sshll.u32 s26, $0x1;
	_ =	strace $0x80000046;
	[dreg:$0x1] =	wrdreg $0xFFFFFFFF  }
0xa9: {  	s28 =	simm.s32 $_size_execute0_lowered;
	s5 =	sadd.s32 s5, s6;
	[dreg:$0x0] =	wrdreg $0x0  }
0xaa: {  	s6 =	sshll.u32 s28, $0x1;
	[dreg:$0x2] =	wrdreg s5  }
0xab: {  	[dreg:$0x3] =	wrdreg s6  }
0xac: {  	[dreg:$0x4] =	wrdreg $0xC0  }
0xad: {  	_ =	task [dreg:s9], $0x5FFFF  }
0xae: {  	[dreg:$0x1] =	wrdreg $0xFFFFFFFF  }
0xaf: {  	[dreg:$0x0] =	wrdreg $0x60  }
0xb0: {  	[dreg:$0x2] =	wrdreg s2  }
0xb1: {  	[dreg:$0x3] =	wrdreg s19  }
0xb2: {  	[dreg:$0x4] =	wrdreg s4  }
0xb3: {  	[dreg:$0x5] =	wrdreg $0x9  }
0xb4: {  	_ =	task.clear_ibuf [dreg:s9], $0x6FFFF;
	_ =	strace $0x90000046  }
0xb5: {  	s29 =	simm.s32 $0x9;
	_ =	strace $0x80000048  }
0xb6: {  	_ =	swait.ge [sflag:s29], $0x1  }
0xb7: {  	[sflag:s29] =	ssyncadd.s32 $0xFFFFFFFF  }
0xb8: {  	_ =	strace $0x90000048  }
0xb9: {  	_ =	sfence  }
0xba: {  	s30 =	sld [smem:$0x0];
	_ =	sdelay $0x2  }
0xbb: {  	s31 =	sshll.u32 s1, $0xD;
	s1 =	sshrl.u32 s1, $0x2  }
0xbc: {  	s3 =	sand.u32 $0x4000, s31;
	s1 =	sadd.s32 s1, s30  }
0xbd: {  	s0 =	sor.u32 s3, s0;
	s1 =	sshll.u32 s1, $0x11  }
0xbe: {  	s0 =	sor.u32 s1, s0  }
0xbf: {  	s0 =	sadd.s32 $0x8F2B, s0  }
0xc0: {  	[sflag:s0] =	ssyncadd.remote.s32 $0x1  }
0xc1: {  	_ =	sfence.sel $0xFFFF  }
0xc2: {  	[dreg:$0x0] =	wrdreg $0xFFFFFFFF;
	(pc) =	sbr.abs _section_cstart, $3  }
0xc3: {  	[dreg:$0x1] =	wrdreg $0xFFFFFFFF  }
0xc4: {  	_ =	task.clear_ibuf [dreg:s9], $0x2FFFF;
	_ =	strace $0x9FFFFFFF  }
0xc5: {  	(tm) =	ssettm $0x7FFFFFFF  }
tec
execute0_lowered:
.L_overlay_start_1:
0x0: {  	(tag) =	ssettag $0x1  }
0x1: {  	s0 =	srdreg.scid  }
0x2: {  	s1 =	stileid.u32;
	s0 =	sand.u32 $0x1, s0  }
0x3: {  	s4 =	rddreg [dreg:$0x0];
	s1 =	sshll.u32 s1, $0x9;
	s2 =	sshll.u32 s0, $0x8  }
0x4: {  	s5 =	rddreg [dreg:$0x1];
	s3 =	simm.s32 $0x0;
	s1 =	sor.u32 s2, s1  }
0x5: {  	[smem:$0x7FF] =	sst s3;
	s0 =	ssub.s32 $0x2, s0;
	s29 =	sshll.u32 s1, $0x7  }
0x6: {  	_ =	strace $0x80000047;
	s28 =	sshrl.u32 s0, $0x1;
	s30 =	sadd.s32 s4, s29  }
0x7: {  	s0 =	ssub.s32 s0, s28;
	s31 =	sadd.s32 s5, s29;
	[dreg:$0x4] =	wrdreg s30  }
0x8: {  	s0 =	smax.u32 s0, $0x1;
	[dreg:$0x6] =	wrdreg s31  }
0x9: {  	s2 =	sadd.s32 $0x400, s30;
	[dreg:$0x7] =	wrdreg s0  }
0xa: {  	s9 =	sshrl.u32 s1, $0x3;
	[dreg:$0x5] =	wrdreg s2;
	s2 =	simm.s32 $0x0  }
.LBB2_1:
0xb: {  	[dreg:$0x8] =	wrdreg s2;
	s0 =	simm.s32 $0x0  }
0xc: {  	s1 =	rddreg [dreg:$0x4];
	s28 =	simm.s32 $0x2000;
	s3 =	simm.s32 $0x800000  }
0xd: {  	[tilespmem:s0], [sflag:$0x1] =	stream.strided.gather [hbm4b:s1+s28], $0x8000, s3, s28, $0x38;
	[tilespmem:$0x1C000] =	vst v63  }
0xe: {  	s29 =	rddreg [dreg:$0x5];
	s4 =	simm.s32 $0x8000  }
0xf: {  	[tilespmem:s4], [sflag:$0x1] =	stream.strided.gather [hbm4b:s29+s28], $0x8000, s3, s28, $0x38;
	[tilespmem:$0x1C000] =	vst v63  }
0x10: {  	s30 =	rddreg [dreg:$0x6];
	s31 =	simm.s32 $0x18000;
	s19 =	simm.s32 $0x0  }
0x11: {  	[tilespmem:s31], [sflag:$0x2] =	stream.linear.gather [hbm4b:s30+s0], $0x2000, $0x38;
	[tilespmem:$0x1C000] =	vst v63  }
.LBB2_2:
0x12: {  	s20 =	smov.u32 s19;
	s19 =	sadd.s32 $0x1, s19  }
0x13: {  	s4 =	rddreg [dreg:$0x1];
	s21 =	simm.s32 $0x2;
	s5 =	simm.s32 $0x1  }
0x14: {  	s23 =	simm.s32 $0x0;
	s24 =	simm.s32 $0x0;
	s12 =	simm.s32 $0x20  }
0x15: {  	s15 =	simm.s32 $0x100;
	p0 =	seq.s32 s20, $0x1F;
	s0 =	sand.u32 $0x1, s20  }
0x16: {  	s2 =	smul.u32 $0xAB, s20;
	s1 =	sadd.s32 @!p0 s9, s19;
	s3 =	sshll.u32 @!p0 s0, $0xD  }
0x17: {  	s25 =	sand.u32 $0x1C00, s23;
	s1 =	sshll.u32 @!p0 s1, $0xA;
	s3 =	sxor.u32 @!p0 $0x1A000, s3  }
0x18: {  	s22 =	sshrl.u32 s2, $0x9;
	s1 =	sadd.s32 @!p0 s4, s1;
	s4 =	simm.s32 @!p0 $0x0  }
0x19: {  	[tilespmem:s3], [sflag:$0x2] =	stream.linear.gather @!p0 [hbm4b:s1+s4], $0x2000, $0x38;
	[tilespmem:$0x1C000] =	vst v63  }
0x1a: {  	s16 =	sand.u32 $0x1C00, s15;
	s0 =	sshll.u32 s0, $0xD;
	s1 =	sand.u32 $0x7F, s22  }
0x1b: {  	s22 =	sor.u32 $0x18000, s0;
	_ =	swait.ge [sflag:s21], $0x2000;
	s1 =	smul.u32 $0x3, s1  }
0x1c: {  	s3 =	sand.u32 $0x60, s24;
	s2 =	sadd.s32 s25, s22;
	[sflag:s21] =	ssyncset.done $0x0  }
0x1d: {  	s26 =	sor.u32 $0x10, s3;
	[sflag:s21] =	ssyncadd.s32 $0xFFFFE000;
	s1 =	ssub.s32 s20, s1  }
0x1e: {  	s15 =	sadd.s32 s16, s22;
	_ =	swait.ge [sflag:s5], $0x8000;
	s1 =	sand.u32 $0xFF, s1  }
0x1f: {  	s18 =	sadd.s32 s26, s2;
	[sflag:s5] =	ssyncset.done $0x0;
	s21 =	sshll.u32 s1, $0xF  }
0x20: {  	[sflag:s5] =	ssyncadd.s32 $0xFFFF8000;
	s5 =	sadd.s32 s3, s2;
	s0 =	sadd.s32 s25, s21  }
0x21: {  	v0 =	vld [tilespmem:s18+$0x0];
	s7 =	sadd.s32 $0x2000, s0;
	s11 =	sadd.s32 $0x4000, s0;
	s6 =	sadd.s32 $0x6000, s0  }
0x22: {  	v1 =	vld [tilespmem:s5+$0x0];
	s17 =	sadd.s32 s26, s6;
	s23 =	sadd.s32 s3, s6;
	s6 =	sand.u32 $0x60, s12  }
0x23: {  	s8 =	sadd.s32 s26, s7;
	s1 =	sadd.s32 s3, s7;
	s7 =	sor.u32 $0x10, s6  }
0x24: {  	s10 =	sadd.s32 s26, s11;
	s14 =	sadd.s32 s3, s11;
	s11 =	sadd.s32 s7, s15  }
0x25: {  	s13 =	sadd.s32 s26, s0;
	v2 =	vld [tilespmem:s11+$0x0]  }
0x26: {  	s0 =	sadd.s32 s3, s0;
	[tilespmem:s13+$0x0] =	vst.add.f32.msk $0xffff, v0  }
0x27: {  	[tilespmem:s0+$0x0] =	vst.add.f32.msk $0xffff, v1  }
0x28: {  	[tilespmem:s8+$0x0] =	vst.add.f32.msk $0xffff, v0  }
0x29: {  	[tilespmem:s1+$0x0] =	vst.add.f32.msk $0xffff, v1  }
0x2a: {  	[tilespmem:s10+$0x0] =	vst.add.f32.msk $0xffff, v0  }
0x2b: {  	[tilespmem:s14+$0x0] =	vst.add.f32.msk $0xffff, v1  }
0x2c: {  	[tilespmem:s17+$0x0] =	vst.add.f32.msk $0xffff, v0  }
0x2d: {  	[tilespmem:s23+$0x0] =	vst.add.f32.msk $0xffff, v1  }
0x2e: {  	s2 =	sadd.s32 s16, s21;
	v0 =	vld [tilespmem:s18+$0x80]  }
0x2f: {  	s28 =	sadd.s32 $0x2000, s2;
	s3 =	sadd.s32 s7, s2;
	v1 =	vld [tilespmem:s5+$0x80]  }
0x30: {  	s29 =	sadd.s32 $0x4000, s2;
	s4 =	sadd.s32 s7, s28;
	[tilespmem:s3+$0x0] =	vst.add.f32.msk $0xffff, v2  }
0x31: {  	s30 =	sadd.s32 $0x6000, s2;
	s12 =	sadd.s32 s7, s29;
	[tilespmem:s4+$0x0] =	vst.add.f32.msk $0xffff, v2  }
0x32: {  	s7 =	sadd.s32 s7, s30;
	[tilespmem:s12+$0x0] =	vst.add.f32.msk $0xffff, v2  }
0x33: {  	[tilespmem:s7+$0x0] =	vst.add.f32.msk $0xffff, v2  }
0x34: {  	v2 =	vld [tilespmem:s11+$0x80]  }
0x35: {  	[tilespmem:s13+$0x80] =	vst.add.f32.msk $0xffff, v0  }
0x36: {  	[tilespmem:s0+$0x80] =	vst.add.f32.msk $0xffff, v1  }
0x37: {  	[tilespmem:s8+$0x80] =	vst.add.f32.msk $0xffff, v0  }
0x38: {  	[tilespmem:s1+$0x80] =	vst.add.f32.msk $0xffff, v1  }
0x39: {  	[tilespmem:s10+$0x80] =	vst.add.f32.msk $0xffff, v0  }
0x3a: {  	[tilespmem:s14+$0x80] =	vst.add.f32.msk $0xffff, v1  }
0x3b: {  	[tilespmem:s17+$0x80] =	vst.add.f32.msk $0xffff, v0  }
0x3c: {  	[tilespmem:s23+$0x80] =	vst.add.f32.msk $0xffff, v1  }
0x3d: {  	v0 =	vld [tilespmem:s18+$0x100]  }
0x3e: {  	v1 =	vld [tilespmem:s5+$0x100]  }
0x3f: {  	[tilespmem:s3+$0x80] =	vst.add.f32.msk $0xffff, v2  }
0x40: {  	[tilespmem:s4+$0x80] =	vst.add.f32.msk $0xffff, v2  }
0x41: {  	[tilespmem:s12+$0x80] =	vst.add.f32.msk $0xffff, v2  }
0x42: {  	[tilespmem:s7+$0x80] =	vst.add.f32.msk $0xffff, v2  }
0x43: {  	v2 =	vld [tilespmem:s11+$0x100]  }
0x44: {  	[tilespmem:s13+$0x100] =	vst.add.f32.msk $0xffff, v0  }
0x45: {  	[tilespmem:s0+$0x100] =	vst.add.f32.msk $0xffff, v1  }
0x46: {  	[tilespmem:s8+$0x100] =	vst.add.f32.msk $0xffff, v0  }
0x47: {  	[tilespmem:s1+$0x100] =	vst.add.f32.msk $0xffff, v1  }
0x48: {  	[tilespmem:s10+$0x100] =	vst.add.f32.msk $0xffff, v0  }
0x49: {  	[tilespmem:s14+$0x100] =	vst.add.f32.msk $0xffff, v1  }
0x4a: {  	[tilespmem:s17+$0x100] =	vst.add.f32.msk $0xffff, v0  }
0x4b: {  	[tilespmem:s23+$0x100] =	vst.add.f32.msk $0xffff, v1  }
0x4c: {  	v0 =	vld [tilespmem:s18+$0x180]  }
0x4d: {  	v1 =	vld [tilespmem:s5+$0x180]  }
0x4e: {  	[tilespmem:s3+$0x100] =	vst.add.f32.msk $0xffff, v2  }
0x4f: {  	[tilespmem:s4+$0x100] =	vst.add.f32.msk $0xffff, v2  }
0x50: {  	[tilespmem:s12+$0x100] =	vst.add.f32.msk $0xffff, v2  }
0x51: {  	[tilespmem:s7+$0x100] =	vst.add.f32.msk $0xffff, v2  }
0x52: {  	v2 =	vld [tilespmem:s11+$0x180]  }
0x53: {  	[tilespmem:s13+$0x180] =	vst.add.f32.msk $0xffff, v0  }
0x54: {  	[tilespmem:s0+$0x180] =	vst.add.f32.msk $0xffff, v1  }
0x55: {  	[tilespmem:s8+$0x180] =	vst.add.f32.msk $0xffff, v0  }
0x56: {  	[tilespmem:s1+$0x180] =	vst.add.f32.msk $0xffff, v1  }
0x57: {  	[tilespmem:s10+$0x180] =	vst.add.f32.msk $0xffff, v0  }
0x58: {  	[tilespmem:s14+$0x180] =	vst.add.f32.msk $0xffff, v1  }
0x59: {  	[tilespmem:s17+$0x180] =	vst.add.f32.msk $0xffff, v0  }
0x5a: {  	[tilespmem:s23+$0x180] =	vst.add.f32.msk $0xffff, v1  }
0x5b: {  	v0 =	vld [tilespmem:s18+$0x200]  }
0x5c: {  	[tilespmem:s3+$0x180] =	vst.add.f32.msk $0xffff, v2  }
0x5d: {  	[tilespmem:s4+$0x180] =	vst.add.f32.msk $0xffff, v2  }
0x5e: {  	[tilespmem:s12+$0x180] =	vst.add.f32.msk $0xffff, v2  }
0x5f: {  	[tilespmem:s7+$0x180] =	vst.add.f32.msk $0xffff, v2  }
0x60: {  	v2 =	vld [tilespmem:s11+$0x200]  }
0x61: {  	[tilespmem:s13+$0x200] =	vst.add.f32.msk $0xffff, v0  }
0x62: {  	[tilespmem:s8+$0x200] =	vst.add.f32.msk $0xffff, v0  }
0x63: {  	[tilespmem:s10+$0x200] =	vst.add.f32.msk $0xffff, v0  }
0x64: {  	[tilespmem:s17+$0x200] =	vst.add.f32.msk $0xffff, v0  }
0x65: {  	v0 =	vld [tilespmem:s18+$0x280]  }
0x66: {  	[tilespmem:s3+$0x200] =	vst.add.f32.msk $0xffff, v2  }
0x67: {  	[tilespmem:s4+$0x200] =	vst.add.f32.msk $0xffff, v2  }
0x68: {  	[tilespmem:s12+$0x200] =	vst.add.f32.msk $0xffff, v2  }
0x69: {  	[tilespmem:s7+$0x200] =	vst.add.f32.msk $0xffff, v2  }
0x6a: {  	v1 =	vld [tilespmem:s11+$0x280]  }
0x6b: {  	[tilespmem:s13+$0x280] =	vst.add.f32.msk $0xffff, v0  }
0x6c: {  	[tilespmem:s8+$0x280] =	vst.add.f32.msk $0xffff, v0  }
0x6d: {  	[tilespmem:s10+$0x280] =	vst.add.f32.msk $0xffff, v0  }
0x6e: {  	[tilespmem:s17+$0x280] =	vst.add.f32.msk $0xffff, v0  }
0x6f: {  	v0 =	vld [tilespmem:s18+$0x300]  }
0x70: {  	[tilespmem:s3+$0x280] =	vst.add.f32.msk $0xffff, v1  }
0x71: {  	[tilespmem:s4+$0x280] =	vst.add.f32.msk $0xffff, v1  }
0x72: {  	[tilespmem:s12+$0x280] =	vst.add.f32.msk $0xffff, v1  }
0x73: {  	[tilespmem:s7+$0x280] =	vst.add.f32.msk $0xffff, v1  }
0x74: {  	v1 =	vld [tilespmem:s11+$0x300]  }
0x75: {  	[tilespmem:s13+$0x300] =	vst.add.f32.msk $0xffff, v0  }
0x76: {  	[tilespmem:s8+$0x300] =	vst.add.f32.msk $0xffff, v0  }
0x77: {  	[tilespmem:s10+$0x300] =	vst.add.f32.msk $0xffff, v0  }
0x78: {  	[tilespmem:s17+$0x300] =	vst.add.f32.msk $0xffff, v0  }
0x79: {  	v0 =	vld [tilespmem:s18+$0x380]  }
0x7a: {  	[tilespmem:s3+$0x300] =	vst.add.f32.msk $0xffff, v1  }
0x7b: {  	[tilespmem:s4+$0x300] =	vst.add.f32.msk $0xffff, v1  }
0x7c: {  	[tilespmem:s12+$0x300] =	vst.add.f32.msk $0xffff, v1  }
0x7d: {  	[tilespmem:s7+$0x300] =	vst.add.f32.msk $0xffff, v1  }
0x7e: {  	v1 =	vld [tilespmem:s11+$0x380]  }
0x7f: {  	[tilespmem:s13+$0x380] =	vst.add.f32.msk $0xffff, v0  }
0x80: {  	[tilespmem:s8+$0x380] =	vst.add.f32.msk $0xffff, v0  }
0x81: {  	s8 =	sadd.s32 s6, s15;
	[tilespmem:s10+$0x380] =	vst.add.f32.msk $0xffff, v0  }
0x82: {  	s24 =	simm.s32 $0x40;
	s25 =	simm.s32 $0x200;
	v2 =	vld [tilespmem:s8+$0x0]  }
0x83: {  	s18 =	sand.u32 $0x1C00, s25;
	s10 =	sand.u32 $0x60, s24;
	[tilespmem:s17+$0x380] =	vst.add.f32.msk $0xffff, v0  }
0x84: {  	s13 =	sadd.s32 s18, s22;
	v0 =	vld [tilespmem:s5+$0x200];
	s16 =	sor.u32 $0x10, s10  }
0x85: {  	s31 =	sadd.s32 s16, s13;
	[tilespmem:s3+$0x380] =	vst.add.f32.msk $0xffff, v1  }
0x86: {  	v3 =	vld [tilespmem:s31+$0x0]  }
0x87: {  	[tilespmem:s4+$0x380] =	vst.add.f32.msk $0xffff, v1  }
0x88: {  	s26 =	sadd.s32 s6, s2;
	[tilespmem:s12+$0x380] =	vst.add.f32.msk $0xffff, v1  }
0x89: {  	[tilespmem:s26+$0x0] =	vst.add.f32.msk $0xffff, v2  }
0x8a: {  	s28 =	sadd.s32 s6, s28;
	[tilespmem:s0+$0x200] =	vst.add.f32.msk $0xffff, v0  }
0x8b: {  	[tilespmem:s28+$0x0] =	vst.add.f32.msk $0xffff, v2  }
0x8c: {  	s29 =	sadd.s32 s6, s29;
	[tilespmem:s1+$0x200] =	vst.add.f32.msk $0xffff, v0  }
0x8d: {  	s2 =	sadd.s32 s18, s21;
	[tilespmem:s29+$0x0] =	vst.add.f32.msk $0xffff, v2  }
0x8e: {  	s12 =	sadd.s32 s16, s2;
	[tilespmem:s14+$0x200] =	vst.add.f32.msk $0xffff, v0  }
0x8f: {  	s30 =	sadd.s32 s6, s30;
	[tilespmem:s12+$0x0] =	vst.add.f32.msk $0xffff, v3  }
0x90: {  	s4 =	sadd.s32 $0x2000, s2;
	[tilespmem:s30+$0x0] =	vst.add.f32.msk $0xffff, v2  }
0x91: {  	s17 =	sadd.s32 s16, s4;
	[tilespmem:s23+$0x200] =	vst.add.f32.msk $0xffff, v0  }
0x92: {  	[tilespmem:s17+$0x0] =	vst.add.f32.msk $0xffff, v3  }
0x93: {  	s11 =	sadd.s32 $0x4000, s2;
	v2 =	vld [tilespmem:s8+$0x80]  }
0x94: {  	s18 =	sadd.s32 $0x6000, s2;
	s3 =	sadd.s32 s16, s11;
	v0 =	vld [tilespmem:s5+$0x280]  }
0x95: {  	s16 =	sadd.s32 s16, s18;
	[tilespmem:s3+$0x0] =	vst.add.f32.msk $0xffff, v3  }
0x96: {  	[tilespmem:s16+$0x0] =	vst.add.f32.msk $0xffff, v3  }
0x97: {  	v3 =	vld [tilespmem:s31+$0x80]  }
0x98: {  	[tilespmem:s26+$0x80] =	vst.add.f32.msk $0xffff, v2  }
0x99: {  	[tilespmem:s0+$0x280] =	vst.add.f32.msk $0xffff, v0  }
0x9a: {  	[tilespmem:s28+$0x80] =	vst.add.f32.msk $0xffff, v2  }
0x9b: {  	[tilespmem:s1+$0x280] =	vst.add.f32.msk $0xffff, v0  }
0x9c: {  	[tilespmem:s29+$0x80] =	vst.add.f32.msk $0xffff, v2  }
0x9d: {  	[tilespmem:s12+$0x80] =	vst.add.f32.msk $0xffff, v3  }
0x9e: {  	[tilespmem:s14+$0x280] =	vst.add.f32.msk $0xffff, v0  }
0x9f: {  	[tilespmem:s30+$0x80] =	vst.add.f32.msk $0xffff, v2  }
0xa0: {  	[tilespmem:s17+$0x80] =	vst.add.f32.msk $0xffff, v3  }
0xa1: {  	[tilespmem:s23+$0x280] =	vst.add.f32.msk $0xffff, v0  }
0xa2: {  	v2 =	vld [tilespmem:s8+$0x100]  }
0xa3: {  	[tilespmem:s3+$0x80] =	vst.add.f32.msk $0xffff, v3  }
0xa4: {  	[tilespmem:s16+$0x80] =	vst.add.f32.msk $0xffff, v3  }
0xa5: {  	v3 =	vld [tilespmem:s31+$0x100]  }
0xa6: {  	v0 =	vld [tilespmem:s5+$0x300]  }
0xa7: {  	[tilespmem:s26+$0x100] =	vst.add.f32.msk $0xffff, v2  }
0xa8: {  	[tilespmem:s28+$0x100] =	vst.add.f32.msk $0xffff, v2  }
0xa9: {  	[tilespmem:s29+$0x100] =	vst.add.f32.msk $0xffff, v2  }
0xaa: {  	[tilespmem:s12+$0x100] =	vst.add.f32.msk $0xffff, v3  }
0xab: {  	[tilespmem:s30+$0x100] =	vst.add.f32.msk $0xffff, v2  }
0xac: {  	[tilespmem:s17+$0x100] =	vst.add.f32.msk $0xffff, v3  }
0xad: {  	v2 =	vld [tilespmem:s8+$0x180]  }
0xae: {  	[tilespmem:s3+$0x100] =	vst.add.f32.msk $0xffff, v3  }
0xaf: {  	[tilespmem:s16+$0x100] =	vst.add.f32.msk $0xffff, v3  }
0xb0: {  	v3 =	vld [tilespmem:s31+$0x180]  }
0xb1: {  	[tilespmem:s7+$0x380] =	vst.add.f32.msk $0xffff, v1  }
0xb2: {  	[tilespmem:s0+$0x300] =	vst.add.f32.msk $0xffff, v0  }
0xb3: {  	[tilespmem:s1+$0x300] =	vst.add.f32.msk $0xffff, v0  }
0xb4: {  	[tilespmem:s26+$0x180] =	vst.add.f32.msk $0xffff, v2  }
0xb5: {  	[tilespmem:s12+$0x180] =	vst.add.f32.msk $0xffff, v3  }
0xb6: {  	[tilespmem:s17+$0x180] =	vst.add.f32.msk $0xffff, v3  }
0xb7: {  	[tilespmem:s3+$0x180] =	vst.add.f32.msk $0xffff, v3  }
0xb8: {  	[tilespmem:s16+$0x180] =	vst.add.f32.msk $0xffff, v3  }
0xb9: {  	v3 =	vld [tilespmem:s31+$0x200]  }
0xba: {  	[tilespmem:s28+$0x180] =	vst.add.f32.msk $0xffff, v2  }
0xbb: {  	[tilespmem:s29+$0x180] =	vst.add.f32.msk $0xffff, v2  }
0xbc: {  	[tilespmem:s30+$0x180] =	vst.add.f32.msk $0xffff, v2  }
0xbd: {  	v2 =	vld [tilespmem:s8+$0x200]  }
0xbe: {  	[tilespmem:s12+$0x200] =	vst.add.f32.msk $0xffff, v3  }
0xbf: {  	[tilespmem:s17+$0x200] =	vst.add.f32.msk $0xffff, v3  }
0xc0: {  	[tilespmem:s3+$0x200] =	vst.add.f32.msk $0xffff, v3  }
0xc1: {  	[tilespmem:s16+$0x200] =	vst.add.f32.msk $0xffff, v3  }
0xc2: {  	v3 =	vld [tilespmem:s31+$0x280]  }
0xc3: {  	[tilespmem:s14+$0x300] =	vst.add.f32.msk $0xffff, v0  }
0xc4: {  	[tilespmem:s23+$0x300] =	vst.add.f32.msk $0xffff, v0  }
0xc5: {  	v0 =	vld [tilespmem:s5+$0x380]  }
0xc6: {  	[tilespmem:s26+$0x200] =	vst.add.f32.msk $0xffff, v2  }
0xc7: {  	[tilespmem:s12+$0x280] =	vst.add.f32.msk $0xffff, v3  }
0xc8: {  	[tilespmem:s17+$0x280] =	vst.add.f32.msk $0xffff, v3  }
0xc9: {  	[tilespmem:s3+$0x280] =	vst.add.f32.msk $0xffff, v3  }
0xca: {  	[tilespmem:s16+$0x280] =	vst.add.f32.msk $0xffff, v3  }
0xcb: {  	v3 =	vld [tilespmem:s31+$0x300]  }
0xcc: {  	[tilespmem:s28+$0x200] =	vst.add.f32.msk $0xffff, v2  }
0xcd: {  	[tilespmem:s29+$0x200] =	vst.add.f32.msk $0xffff, v2  }
0xce: {  	[tilespmem:s30+$0x200] =	vst.add.f32.msk $0xffff, v2  }
0xcf: {  	v2 =	vld [tilespmem:s8+$0x280]  }
0xd0: {  	[tilespmem:s12+$0x300] =	vst.add.f32.msk $0xffff, v3  }
0xd1: {  	[tilespmem:s17+$0x300] =	vst.add.f32.msk $0xffff, v3  }
0xd2: {  	[tilespmem:s3+$0x300] =	vst.add.f32.msk $0xffff, v3  }
0xd3: {  	[tilespmem:s16+$0x300] =	vst.add.f32.msk $0xffff, v3  }
0xd4: {  	v3 =	vld [tilespmem:s31+$0x380];
	s31 =	sadd.s32 s10, s13  }
0xd5: {  	v1 =	vld [tilespmem:s31+$0x0];
	_ =	sdelay $0x1  }
0xd6: {  	[tilespmem:s0+$0x380] =	vst.add.f32.msk $0xffff, v0  }
0xd7: {  	[tilespmem:s1+$0x380] =	vst.add.f32.msk $0xffff, v0  }
0xd8: {  	[tilespmem:s26+$0x280] =	vst.add.f32.msk $0xffff, v2;
	s13 =	sadd.s32 s10, s2  }
0xd9: {  	s0 =	sadd.s32 s10, s4;
	[tilespmem:s13+$0x0] =	vst.add.f32.msk $0xffff, v1  }
0xda: {  	s1 =	sadd.s32 s10, s11;
	[tilespmem:s0+$0x0] =	vst.add.f32.msk $0xffff, v1  }
0xdb: {  	s5 =	sadd.s32 s10, s18;
	[tilespmem:s1+$0x0] =	vst.add.f32.msk $0xffff, v1  }
0xdc: {  	[tilespmem:s5+$0x0] =	vst.add.f32.msk $0xffff, v1  }
0xdd: {  	v1 =	vld [tilespmem:s31+$0x80]  }
0xde: {  	[tilespmem:s28+$0x280] =	vst.add.f32.msk $0xffff, v2  }
0xdf: {  	[tilespmem:s29+$0x280] =	vst.add.f32.msk $0xffff, v2  }
0xe0: {  	[tilespmem:s30+$0x280] =	vst.add.f32.msk $0xffff, v2  }
0xe1: {  	v2 =	vld [tilespmem:s8+$0x300]  }
0xe2: {  	[tilespmem:s13+$0x80] =	vst.add.f32.msk $0xffff, v1  }
0xe3: {  	[tilespmem:s0+$0x80] =	vst.add.f32.msk $0xffff, v1  }
0xe4: {  	[tilespmem:s1+$0x80] =	vst.add.f32.msk $0xffff, v1  }
0xe5: {  	[tilespmem:s5+$0x80] =	vst.add.f32.msk $0xffff, v1  }
0xe6: {  	v1 =	vld [tilespmem:s31+$0x100]  }
0xe7: {  	[tilespmem:s12+$0x380] =	vst.add.f32.msk $0xffff, v3  }
0xe8: {  	[tilespmem:s17+$0x380] =	vst.add.f32.msk $0xffff, v3  }
0xe9: {  	[tilespmem:s3+$0x380] =	vst.add.f32.msk $0xffff, v3  }
0xea: {  	[tilespmem:s16+$0x380] =	vst.add.f32.msk $0xffff, v3  }
0xeb: {  	[tilespmem:s13+$0x100] =	vst.add.f32.msk $0xffff, v1  }
0xec: {  	[tilespmem:s0+$0x100] =	vst.add.f32.msk $0xffff, v1  }
0xed: {  	[tilespmem:s1+$0x100] =	vst.add.f32.msk $0xffff, v1  }
0xee: {  	[tilespmem:s5+$0x100] =	vst.add.f32.msk $0xffff, v1  }
0xef: {  	v3 =	vld [tilespmem:s31+$0x180]  }
0xf0: {  	[tilespmem:s26+$0x300] =	vst.add.f32.msk $0xffff, v2  }
0xf1: {  	[tilespmem:s28+$0x300] =	vst.add.f32.msk $0xffff, v2  }
0xf2: {  	[tilespmem:s29+$0x300] =	vst.add.f32.msk $0xffff, v2  }
0xf3: {  	[tilespmem:s30+$0x300] =	vst.add.f32.msk $0xffff, v2  }
0xf4: {  	[tilespmem:s13+$0x180] =	vst.add.f32.msk $0xffff, v3  }
0xf5: {  	[tilespmem:s0+$0x180] =	vst.add.f32.msk $0xffff, v3  }
0xf6: {  	[tilespmem:s1+$0x180] =	vst.add.f32.msk $0xffff, v3  }
0xf7: {  	[tilespmem:s5+$0x180] =	vst.add.f32.msk $0xffff, v3  }
0xf8: {  	v2 =	vld [tilespmem:s31+$0x200];
	_ =	sdelay $0x1  }
0xf9: {  	v1 =	vld [tilespmem:s8+$0x380]  }
0xfa: {  	[tilespmem:s14+$0x380] =	vst.add.f32.msk $0xffff, v0  }
.LBB2_3:
0xfb: {  	s24 =	sadd.s32 $0x20, s24;
	s25 =	sadd.s32 $0x100, s25;
	[tilespmem:s23+$0x380] =	vst.add.f32.msk $0xffff, v0;
	s23 =	smov.u32 s30  }
0xfc: {  	s3 =	sand.u32 $0x60, s24;
	s2 =	sand.u32 $0x1C00, s25;
	p0 =	slt.u32 s24, $0x3E0;
	[tilespmem:s13+$0x200] =	vst.add.f32.msk $0xffff, v2  }
0xfd: {  	s30 =	smov.u32 s5;
	s4 =	sadd.s32 s2, s22;
	s11 =	sor.u32 $0x10, s3;
	[tilespmem:s0+$0x200] =	vst.add.f32.msk $0xffff, v2  }
0xfe: {  	s14 =	sadd.s32 s3, s4;
	s8 =	sadd.s32 s11, s4;
	[tilespmem:s1+$0x200] =	vst.add.f32.msk $0xffff, v2;
	v0 =	vmov v1  }
0xff: {  	v1 =	vld [tilespmem:s8+$0x0]  }
0x100: {  	v3 =	vld [tilespmem:s14+$0x0]  }
0x101: {  	[tilespmem:s30+$0x200] =	vst.add.f32.msk $0xffff, v2  }
0x102: {  	s4 =	sadd.s32 s2, s21;
	v2 =	vld [tilespmem:s31+$0x280]  }
0x103: {  	s12 =	sadd.s32 s3, s4;
	s5 =	sadd.s32 $0x2000, s4;
	s10 =	sadd.s32 s11, s4;
	[tilespmem:s26+$0x380] =	vst.add.f32.msk $0xffff, v0  }
0x104: {  	s15 =	sadd.s32 $0x4000, s4;
	s2 =	sadd.s32 s3, s5;
	s6 =	sadd.s32 s11, s5;
	[tilespmem:s10+$0x0] =	vst.add.f32.msk $0xffff, v1  }
0x105: {  	s4 =	sadd.s32 $0x6000, s4;
	s7 =	sadd.s32 s3, s15;
	s17 =	sadd.s32 s11, s15;
	[tilespmem:s6+$0x0] =	vst.add.f32.msk $0xffff, v1  }
0x106: {  	s5 =	sadd.s32 s3, s4;
	s18 =	sadd.s32 s11, s4;
	s26 =	smov.u32 s13;
	[tilespmem:s17+$0x0] =	vst.add.f32.msk $0xffff, v1  }
0x107: {  	s13 =	smov.u32 s12;
	[tilespmem:s18+$0x0] =	vst.add.f32.msk $0xffff, v1  }
0x108: {  	v1 =	vld [tilespmem:s8+$0x80]  }
0x109: {  	[tilespmem:s13+$0x0] =	vst.add.f32.msk $0xffff, v3  }
0x10a: {  	[tilespmem:s2+$0x0] =	vst.add.f32.msk $0xffff, v3  }
0x10b: {  	[tilespmem:s7+$0x0] =	vst.add.f32.msk $0xffff, v3  }
0x10c: {  	[tilespmem:s5+$0x0] =	vst.add.f32.msk $0xffff, v3  }
0x10d: {  	[tilespmem:s10+$0x80] =	vst.add.f32.msk $0xffff, v1  }
0x10e: {  	[tilespmem:s6+$0x80] =	vst.add.f32.msk $0xffff, v1  }
0x10f: {  	[tilespmem:s17+$0x80] =	vst.add.f32.msk $0xffff, v1  }
0x110: {  	[tilespmem:s18+$0x80] =	vst.add.f32.msk $0xffff, v1  }
0x111: {  	v1 =	vld [tilespmem:s8+$0x100]  }
0x112: {  	v3 =	vld [tilespmem:s14+$0x80]  }
0x113: {  	[tilespmem:s26+$0x280] =	vst.add.f32.msk $0xffff, v2  }
0x114: {  	[tilespmem:s0+$0x280] =	vst.add.f32.msk $0xffff, v2  }
0x115: {  	[tilespmem:s1+$0x280] =	vst.add.f32.msk $0xffff, v2  }
0x116: {  	[tilespmem:s10+$0x100] =	vst.add.f32.msk $0xffff, v1  }
0x117: {  	[tilespmem:s6+$0x100] =	vst.add.f32.msk $0xffff, v1  }
0x118: {  	[tilespmem:s17+$0x100] =	vst.add.f32.msk $0xffff, v1  }
0x119: {  	[tilespmem:s18+$0x100] =	vst.add.f32.msk $0xffff, v1  }
0x11a: {  	v1 =	vld [tilespmem:s8+$0x180]  }
0x11b: {  	[tilespmem:s13+$0x80] =	vst.add.f32.msk $0xffff, v3  }
0x11c: {  	[tilespmem:s2+$0x80] =	vst.add.f32.msk $0xffff, v3  }
0x11d: {  	[tilespmem:s7+$0x80] =	vst.add.f32.msk $0xffff, v3  }
0x11e: {  	[tilespmem:s5+$0x80] =	vst.add.f32.msk $0xffff, v3  }
0x11f: {  	[tilespmem:s10+$0x180] =	vst.add.f32.msk $0xffff, v1  }
0x120: {  	[tilespmem:s6+$0x180] =	vst.add.f32.msk $0xffff, v1  }
0x121: {  	[tilespmem:s17+$0x180] =	vst.add.f32.msk $0xffff, v1  }
0x122: {  	[tilespmem:s18+$0x180] =	vst.add.f32.msk $0xffff, v1  }
0x123: {  	v1 =	vld [tilespmem:s8+$0x200]  }
0x124: {  	v3 =	vld [tilespmem:s14+$0x100]  }
0x125: {  	[tilespmem:s30+$0x280] =	vst.add.f32.msk $0xffff, v2  }
0x126: {  	v4 =	vld [tilespmem:s31+$0x300]  }
0x127: {  	[tilespmem:s28+$0x380] =	vst.add.f32.msk $0xffff, v0;
	s28 =	smov.u32 s0;
	s0 =	smov.u32 s2  }
0x128: {  	[tilespmem:s10+$0x200] =	vst.add.f32.msk $0xffff, v1  }
0x129: {  	[tilespmem:s6+$0x200] =	vst.add.f32.msk $0xffff, v1  }
0x12a: {  	[tilespmem:s17+$0x200] =	vst.add.f32.msk $0xffff, v1  }
0x12b: {  	[tilespmem:s18+$0x200] =	vst.add.f32.msk $0xffff, v1  }
0x12c: {  	v1 =	vld [tilespmem:s8+$0x280]  }
0x12d: {  	[tilespmem:s13+$0x100] =	vst.add.f32.msk $0xffff, v3  }
0x12e: {  	[tilespmem:s0+$0x100] =	vst.add.f32.msk $0xffff, v3  }
0x12f: {  	[tilespmem:s7+$0x100] =	vst.add.f32.msk $0xffff, v3  }
0x130: {  	[tilespmem:s5+$0x100] =	vst.add.f32.msk $0xffff, v3  }
0x131: {  	[tilespmem:s10+$0x280] =	vst.add.f32.msk $0xffff, v1  }
0x132: {  	[tilespmem:s6+$0x280] =	vst.add.f32.msk $0xffff, v1  }
0x133: {  	[tilespmem:s17+$0x280] =	vst.add.f32.msk $0xffff, v1  }
0x134: {  	[tilespmem:s18+$0x280] =	vst.add.f32.msk $0xffff, v1  }
0x135: {  	v1 =	vld [tilespmem:s8+$0x300]  }
0x136: {  	v2 =	vld [tilespmem:s14+$0x180]  }
0x137: {  	[tilespmem:s26+$0x300] =	vst.add.f32.msk $0xffff, v4  }
0x138: {  	[tilespmem:s28+$0x300] =	vst.add.f32.msk $0xffff, v4  }
0x139: {  	[tilespmem:s1+$0x300] =	vst.add.f32.msk $0xffff, v4  }
0x13a: {  	[tilespmem:s10+$0x300] =	vst.add.f32.msk $0xffff, v1  }
0x13b: {  	[tilespmem:s6+$0x300] =	vst.add.f32.msk $0xffff, v1  }
0x13c: {  	[tilespmem:s17+$0x300] =	vst.add.f32.msk $0xffff, v1  }
0x13d: {  	[tilespmem:s18+$0x300] =	vst.add.f32.msk $0xffff, v1  }
0x13e: {  	v1 =	vld [tilespmem:s8+$0x380]  }
0x13f: {  	[tilespmem:s13+$0x180] =	vst.add.f32.msk $0xffff, v2  }
0x140: {  	[tilespmem:s0+$0x180] =	vst.add.f32.msk $0xffff, v2  }
0x141: {  	[tilespmem:s7+$0x180] =	vst.add.f32.msk $0xffff, v2  }
0x142: {  	[tilespmem:s5+$0x180] =	vst.add.f32.msk $0xffff, v2  }
0x143: {  	[tilespmem:s10+$0x380] =	vst.add.f32.msk $0xffff, v1  }
0x144: {  	[tilespmem:s6+$0x380] =	vst.add.f32.msk $0xffff, v1  }
0x145: {  	[tilespmem:s17+$0x380] =	vst.add.f32.msk $0xffff, v1  }
.Ltmp0:
0x146: {  	[tilespmem:s18+$0x380] =	vst.add.f32.msk $0xffff, v1;
	(pc) =	sbr.rel @p0 .LBB2_3-.Ltmp0, $4  }
0x147: {  	v2 =	vld [tilespmem:s14+$0x200]  }
0x148: {  	[tilespmem:s30+$0x300] =	vst.add.f32.msk $0xffff, v4  }
0x149: {  	v1 =	vld [tilespmem:s31+$0x380];
	s31 =	smov.u32 s14  }
0x14a: {  	[tilespmem:s29+$0x380] =	vst.add.f32.msk $0xffff, v0;
	s29 =	smov.u32 s1;
	s1 =	smov.u32 s7  }
0x14b: {  	_ = 	snop  }
0x14c: {  	[tilespmem:s13+$0x200] =	vst.add.f32.msk $0xffff, v2  }
0x14d: {  	[tilespmem:s0+$0x200] =	vst.add.f32.msk $0xffff, v2  }
0x14e: {  	[tilespmem:s1+$0x200] =	vst.add.f32.msk $0xffff, v2  }
0x14f: {  	[tilespmem:s5+$0x200] =	vst.add.f32.msk $0xffff, v2  }
0x150: {  	v2 =	vld [tilespmem:s31+$0x280];
	_ =	sdelay $0x4  }
0x151: {  	[tilespmem:s13+$0x280] =	vst.add.f32.msk $0xffff, v2  }
0x152: {  	[tilespmem:s0+$0x280] =	vst.add.f32.msk $0xffff, v2  }
0x153: {  	[tilespmem:s1+$0x280] =	vst.add.f32.msk $0xffff, v2  }
0x154: {  	[tilespmem:s5+$0x280] =	vst.add.f32.msk $0xffff, v2  }
0x155: {  	v2 =	vld [tilespmem:s31+$0x300];
	_ =	sdelay $0x3  }
0x156: {  	[tilespmem:s23+$0x380] =	vst.add.f32.msk $0xffff, v0  }
0x157: {  	[tilespmem:s13+$0x300] =	vst.add.f32.msk $0xffff, v2  }
0x158: {  	[tilespmem:s0+$0x300] =	vst.add.f32.msk $0xffff, v2  }
0x159: {  	[tilespmem:s1+$0x300] =	vst.add.f32.msk $0xffff, v2  }
0x15a: {  	[tilespmem:s5+$0x300] =	vst.add.f32.msk $0xffff, v2  }
0x15b: {  	v63 =	vld [tilespmem:s31+$0x380]  }
0x15c: {  	[tilespmem:s26+$0x380] =	vst.add.f32.msk $0xffff, v1  }
0x15d: {  	[tilespmem:s28+$0x380] =	vst.add.f32.msk $0xffff, v1  }
0x15e: {  	[tilespmem:s29+$0x380] =	vst.add.f32.msk $0xffff, v1  }
0x15f: {  	[tilespmem:s30+$0x380] =	vst.add.f32.msk $0xffff, v1  }
0x160: {  	[tilespmem:s13+$0x380] =	vst.add.f32.msk $0xffff, v63  }
0x161: {  	s29 =	sadd.s32 s9, s20;
	[tilespmem:s0+$0x380] =	vst.add.f32.msk $0xffff, v63  }
0x162: {  	s2 =	simm.s32 $0x800000;
	s30 =	rddreg [dreg:$0x2];
	s0 =	sshll.u32 s29, $0xA;
	[tilespmem:s1+$0x380] =	vst.add.f32.msk $0xffff, v63  }
0x163: {  	p0 =	seq.s32 s20, $0x0;
	s31 =	simm.s32 $0x2000;
	s0 =	sadd.s32 s30, s0;
	[tilespmem:s5+$0x380] =	vst.add.f32.msk $0xffff, v63  }
0x164: {  	[hbm4b:s0+s31] =	stream.strided.scatter [tilespmem:s21], [sflag:$0x3], $0x8000, s2, s31, $0x38;
	[tilespmem:$0x1C000] =	vst v63  }
0x165: {  	s0 =	simm.s32 @!p0 $0x3  }
0x166: {  	p1 =	sgt.u32 @!p0 s20, $0x1D;
	_ =	swait.ge @!p0 [sflag:s0], $0x8000  }
0x167: {  	p1 =	por p0, !p1;
	[sflag:s0] =	ssyncset.done @!p0 $0x0  }
0x168: {  	[sflag:s0] =	ssyncadd.s32 @!p0 $0xFFFF8000;
	s0 =	sadd.s32 @p1 $0x2, s20  }
0x169: {  	s1 =	smul.u32 @p1 $0xAB, s0;
	_ =	sdelay $0x1  }
0x16a: {  	s1 =	sshrl.u32 @p1 s1, $0x9  }
0x16b: {  	s1 =	sand.u32 @p1 $0x7F, s1  }
0x16c: {  	p0 =	sne.s32 s19, $0x20;
	s1 =	smul.u32 @p1 $0x3, s1  }
.Ltmp1:
0x16d: {  	_ = 	snop;
	(pc) =	sbr.rel @p0 .LBB2_2-.Ltmp1, $4  }
0x16e: {  	s3 =	simm.s32 @p1 $0x800000;
	s2 =	sadd.s32 @p1 s9, s0;
	s0 =	ssub.s32 @p1 s0, s1  }
0x16f: {  	s1 =	sshll.u32 @p1 s2, $0xA;
	s2 =	rddreg @p1 [dreg:$0x0];
	s0 =	sand.u32 @p1 $0xFF, s0  }
0x170: {  	s1 =	sadd.s32 @p1 s2, s1;
	s2 =	simm.s32 @p1 $0x2000;
	s0 =	sshll.u32 @p1 s0, $0xF  }
0x171: {  	[tilespmem:s0], [sflag:$0x1] =	stream.strided.gather @p1 [hbm4b:s1+s2], $0x8000, s3, s2, $0x38;
	[tilespmem:$0x1C000] =	vst v63  }
0x172: {  	s1 =	simm.s32 $0x3  }
0x173: {  	_ =	swait.ge [sflag:s1], $0x8000  }
0x174: {  	s2 =	rddreg [dreg:$0x8]  }
0x175: {  	s0 =	rddreg [dreg:$0x7];
	s2 =	sadd.s32 $0x1, s2  }
0x176: {  	p0 =	sne.s32 s2, s0  }
.Ltmp2:
0x177: {  	_ = 	snop;
	(pc) =	sbr.rel @p0 .LBB2_1-.Ltmp2, $3  }
0x178: {  	_ =	sdelay $0x1  }
0x179: {  	[sflag:s1] =	ssyncset.done $0x0  }
0x17a: {  	[sflag:s1] =	ssyncadd.s32 $0xFFFF8000  }
0x17b: {  	_ =	sfence.sel $0x180000  }
0x17c: {  	[bflag:$0x0] =	sbarrier.arrive $0xFFFF  }
0x17d: {  	_ =	strace $0x90000047  }
0x17e: {  	s0 =	stileid.u32;
	[bflag:$0x2] =	sbarrier.arrive $0xFFFF  }
0x17f: {  	p0 =	sne.s32 s0, $0x0;
	s0 =	rddreg [dreg:$0x3]  }
0x180: {  	s0 =	sadd.s32 @!p0 $0x100000, s0  }
0x181: {  	[sflag:s0] =	ssyncadd.tile.s32 @!p0 $0x1;
	_ =	shalt  }
.Lfunc_end2:
_tile_overlayer_lowered:
.L_overlay_start_2:
0x182: {  	(tag) =	ssettag $0x2  }
0x183: {  	s0 =	rddreg [dreg:$0x0];
	s2 =	stileid.u32  }
0x184: {  	s1 =	rddreg [dreg:$0x1];
	p0 =	sne.s32 s2, $0x0  }
0x185: {  	s3 =	rddreg [dreg:$0x2];
	[bflag:$0x3] =	sbarrier.arrive $0xFFFF;
	s2 =	simm.s32 @!p0 $0x1C04  }
0x186: {  	[timem:s3], [sflag:s2] =	dma.local @!p0 [hbm:s0], s1  }
0x187: {  	s0 =	simm.s32 @!p0 $0x4  }
0x188: {  	_ =	swait.ge @!p0 [sflag:s0], s1  }
0x189: {  	s1 =	ssub.s32 @!p0 $0x0, s1;
	[sflag:s0] =	ssyncset.done @!p0 $0x0  }
0x18a: {  	[sflag:s0] =	ssyncadd.s32 @!p0 s1  }
0x18b: {  	[bflag:$0x3] =	sbarrier.arrive $0xFFFF  }
0x18c: {  	_ =	shalt  }

</sc_bundles>
